<compile_context>
chip_gen: v7x
topology: tpu7x:2x2x1
jax: 0.10.2.dev20260603
libtpu: 0.0.44.dev20260713+nightly
codegen_flags: <defaults>
</compile_context>

<pallas_src>
import functools

import jax
import jax.numpy as jnp
from jax import lax
from jax.experimental import pallas as pl
from jax.experimental.pallas import tpu as pltpu
from jax.experimental.pallas import tpu_sc as plsc

_B = 16384
_NC = 26
_NN = 13
_V = 100000
_D = 32
_H = 2 * _D
_NIDX = _B * _NC
_PK = 128 // _D

_NW = 32
_BPW = _NIDX // _NW
_CH = 416
_NCH = _BPW // _CH

_CAT_PROWS = _NIDX // _PK
_NUM_PROWS = _B * _NN // _PK
_RB_CAT = 2048
_RB_NUM = _B // _PK

_SQRT2 = 1.4142135623730951

_VP = 100096
_TLB = _VP // 17


def _tpose_body(x_ref, o_ref):
    x = x_ref[0]
    o_ref[:, 0:_D] = jnp.swapaxes(x, 0, 1)


def _transpose_pack(Tn):
    return pl.pallas_call(
        _tpose_body,
        grid=(_NC, _VP // _TLB),
        in_specs=[pl.BlockSpec((1, _D, _TLB), lambda f, j: (f, 0, j))],
        out_specs=pl.BlockSpec((_TLB, 128), lambda f, j: (17 * f + j, 0)),
        out_shape=jax.ShapeDtypeStruct((_NC * _VP, 128), jnp.float32),
        compiler_params=pltpu.CompilerParams(
            dimension_semantics=("parallel", "parallel")),
    )(Tn)


def _sc_gather(t128, idx):
    mesh = plsc.VectorSubcoreMesh(core_axis_name="core", subcore_axis_name="subcore")

    @functools.partial(
        pl.kernel,
        out_type=jax.ShapeDtypeStruct((_CAT_PROWS, 128), jnp.float32),
        mesh=mesh,
        scratch_types=[pltpu.VMEM((_CH,), jnp.int32),
                       pltpu.VMEM((_CH,), jnp.int32),
                       pltpu.VMEM((_CH, 128), jnp.float32),
                       pltpu.VMEM((_CH, 128), jnp.float32),
                       pltpu.VMEM((_CH // _PK, 128), jnp.float32),
                       pltpu.SemaphoreType.DMA,
                       pltpu.SemaphoreType.DMA],
        compiler_params=pltpu.CompilerParams(use_tc_tiling_on_sc=False),
    )
    def k(x_hbm, i_hbm, o_hbm, idx_v0, idx_v1, rows_v0, rows_v1, comp_v,
          sem0, sem1):
        wid = lax.axis_index("subcore") * 2 + lax.axis_index("core")
        base = wid * _BPW

        def start(c, idx_v, rows_v, sem):
            off = base + c * _CH
            pltpu.sync_copy(i_hbm.at[pl.ds(off, _CH)], idx_v)
            pltpu.async_copy(x_hbm.at[idx_v], rows_v, sem)

        def finish(c, idx_v, rows_v, sem):
            pltpu.make_async_copy(x_hbm.at[idx_v], rows_v, sem).wait()

            @pl.loop(0, _CH // _PK)
            def _(r):
                for a in range(_PK):
                    for h in range(_D // 16):
                        comp_v[r, pl.ds(a * _D + h * 16, 16)] = (
                            rows_v[_PK * r + a, pl.ds(h * 16, 16)])

            off = base + c * _CH
            pltpu.sync_copy(comp_v, o_hbm.at[pl.ds(off // _PK, _CH // _PK)])

        start(0, idx_v0, rows_v0, sem0)

        @pl.loop(0, _NCH // 2)
        def _(p):
            start(2 * p + 1, idx_v1, rows_v1, sem1)
            finish(2 * p, idx_v0, rows_v0, sem0)

            @pl.when(p < _NCH // 2 - 1)
            def _():
                start(2 * p + 2, idx_v0, rows_v0, sem0)

            finish(2 * p + 1, idx_v1, rows_v1, sem1)

    return k(t128, idx)


def _mlp_packed(x, w1, b1, w2, b2, g, be, m):
    h = jnp.dot(x, w1, preferred_element_type=jnp.float32) + b1
    h = 0.5 * h * (1.0 + lax.erf(h / _SQRT2))
    y = jnp.dot(h, w2, preferred_element_type=jnp.float32) + b2
    mu = jnp.dot(y, m, preferred_element_type=jnp.float32)
    c = y - mu
    var = jnp.dot(c * c, m, preferred_element_type=jnp.float32)
    return c * lax.rsqrt(var + 1e-5) * g + be


def _cat_body(x_ref, w1_ref, b1_ref, w2_ref, b2_ref, g_ref, be_ref, m_ref,
              o_ref):
    o_ref[...] = _mlp_packed(x_ref[...], w1_ref[...], b1_ref[...], w2_ref[...],
                             b2_ref[...], g_ref[...], be_ref[...], m_ref[...])


def _num_body(v_ref, wn_ref, bn_ref, w1t_ref, b1c_ref, w2t_ref, b2c_ref,
              gc_ref, bec_ref, o_ref):
    x = v_ref[0]
    tok = wn_ref[0] * x + bn_ref[0]
    h = jnp.dot(w1t_ref[...], tok,
                preferred_element_type=jnp.float32) + b1c_ref[...]
    h = 0.5 * h * (1.0 + lax.erf(h / _SQRT2))
    y = jnp.dot(w2t_ref[...], h,
                preferred_element_type=jnp.float32) + b2c_ref[...]
    mu = jnp.mean(y, axis=0, keepdims=True)
    c = y - mu
    var = jnp.mean(c * c, axis=0, keepdims=True)
    o_ref[0] = c * lax.rsqrt(var + 1e-5) * gc_ref[...] + bec_ref[...]


def _full(shape):
    return pl.BlockSpec(shape, lambda i: tuple(0 for _ in shape))


def kernel(cat_inputs, num_inputs, T, Wn, bn, W1, b1, W2, b2, gamma, beta):
    tp = _transpose_pack(T.transpose(0, 2, 1))
    idx = (cat_inputs.T.astype(jnp.int32)
           + (jnp.arange(_NC, dtype=jnp.int32) * _VP)[:, None]).reshape(_NIDX)

    cat_p = _sc_gather(tp, idx)

    eye4 = jnp.eye(_PK, dtype=jnp.float32)
    w1bd = jnp.kron(eye4, W1)
    w2bd = jnp.kron(eye4, W2)
    mavg = jnp.kron(eye4, jnp.full((_D, _D), 1.0 / _D, jnp.float32))
    b1t = jnp.tile(b1, _PK).reshape(1, _PK * _H)
    b2t = jnp.tile(b2, _PK).reshape(1, 128)
    gt = jnp.tile(gamma, _PK).reshape(1, 128)
    bet = jnp.tile(beta, _PK).reshape(1, 128)

    w_specs = [_full((128, _PK * _H)), _full((1, _PK * _H)),
               _full((_PK * _H, 128)), _full((1, 128)), _full((1, 128)),
               _full((1, 128)), _full((128, 128))]

    catm = pl.pallas_call(
        _cat_body,
        grid=(_CAT_PROWS // _RB_CAT,),
        in_specs=[pl.BlockSpec((_RB_CAT, 128), lambda i: (i, 0))] + w_specs,
        out_specs=pl.BlockSpec((_RB_CAT, 128), lambda i: (i, 0)),
        out_shape=jax.ShapeDtypeStruct((_CAT_PROWS, 128), jnp.float32),
    )(cat_p, w1bd, b1t, w2bd, b2t, gt, bet, mavg)

    numT3 = num_inputs.T.reshape(_NN, 1, _B)
    wn_c = Wn.reshape(_NN, _D, 1)
    bn_c = bn.reshape(_NN, _D, 1)
    w1t = W1.T
    w2t = W2.T
    b1c = b1.reshape(_H, 1)
    b2c = b2.reshape(_D, 1)
    gc = gamma.reshape(_D, 1)
    bec = beta.reshape(_D, 1)

    numm = pl.pallas_call(
        _num_body,
        grid=(_NN,),
        in_specs=[pl.BlockSpec((1, 1, _B), lambda i: (i, 0, 0)),
                  pl.BlockSpec((1, _D, 1), lambda i: (i, 0, 0)),
                  pl.BlockSpec((1, _D, 1), lambda i: (i, 0, 0)),
                  _full((_H, _D)), _full((_H, 1)), _full((_D, _H)),
                  _full((_D, 1)), _full((_D, 1)), _full((_D, 1))],
        out_specs=pl.BlockSpec((1, _D, _B), lambda i: (i, 0, 0)),
        out_shape=jax.ShapeDtypeStruct((_NN, _D, _B), jnp.float32),
    )(numT3, wn_c, bn_c, w1t, b1c, w2t, b2c, gc, bec)

    cat3 = catm.reshape(_NC, _B, _D).transpose(1, 0, 2)
    num3 = numm.transpose(2, 0, 1)
    return jnp.concatenate([cat3, num3], axis=1)

# --- scband reference (transcript-rebuilt; emitter-appended) ---
"""Pipeline reference for scband-feature-tokenizer-2052994367898 (READ-ONLY COPY).

The authoritative reference and input builder live on the scoring server;
editing this copy changes nothing except your own understanding.
"""

import jax, jax.numpy as jnp
import numpy as np

B = 16384
NUM_CAT = 26
NUM_NUM = 13
VOCAB = 100000
D = 32


def _layer_norm(x, gamma, beta, eps=1e-5):
    mu = jnp.mean(x, axis=-1, keepdims=True)
    var = jnp.mean((x - mu) ** 2, axis=-1, keepdims=True)
    return (x - mu) / jnp.sqrt(var + eps) * gamma + beta


def setup_inputs(seed: int = 0) -> dict:
    key = jax.random.key(seed)
    ks = jax.random.split(key, 12)
    cat_inputs = jax.random.randint(ks[0], (B, NUM_CAT), 0, VOCAB, dtype=jnp.int64 if jax.config.jax_enable_x64 else jnp.int32)
    num_inputs = jax.random.normal(ks[1], (B, NUM_NUM), dtype=jnp.float32)
    # stacked embedding tables: [NUM_CAT, VOCAB, D]
    T = jax.random.normal(ks[2], (NUM_CAT, VOCAB, D), dtype=jnp.float32) * 0.02
    # per-numerical-feature Linear(1, D): weight squeezed to [NUM_NUM, D], bias [NUM_NUM, D]
    Wn = jax.random.normal(ks[3], (NUM_NUM, D), dtype=jnp.float32) * 0.02
    bn = jnp.zeros((NUM_NUM, D), dtype=jnp.float32)
    # feature MLP: Linear(D, 2D) -> GELU -> Linear(2D, D) -> LayerNorm
    W1 = jax.random.normal(ks[4], (D, 2 * D), dtype=jnp.float32) * 0.02
    b1 = jnp.zeros((2 * D,), dtype=jnp.float32)
    W2 = jax.random.normal(ks[5], (2 * D, D), dtype=jnp.float32) * 0.02
    b2 = jnp.zeros((D,), dtype=jnp.float32)
    gamma = jnp.ones((D,), dtype=jnp.float32)
    beta = jnp.zeros((D,), dtype=jnp.float32)
    return {"cat_inputs": cat_inputs, "num_inputs": num_inputs, "T": T, "Wn": Wn, "bn": bn,
            "W1": W1, "b1": b1, "W2": W2, "b2": b2, "gamma": gamma, "beta": beta}


def reference(cat_inputs, num_inputs, T, Wn, bn, W1, b1, W2, b2, gamma, beta):
    # categorical tokens: gather from each field's table -> [B, NUM_CAT, D]
    field_idx = jnp.arange(NUM_CAT)[None, :]
    cat_tokens = T[field_idx, cat_inputs]  # advanced indexing gather
    # numerical tokens: per-feature Linear(1, D) -> [B, NUM_NUM, D]
    num_tokens = num_inputs[:, :, None] * Wn[None, :, :] + bn[None, :, :]
    tokens = jnp.concatenate([cat_tokens, num_tokens], axis=1)  # [B, NUM_CAT+NUM_NUM, D]
    # feature MLP (dropout is identity in eval)
    h = jnp.dot(tokens, W1) + b1
    h = jax.nn.gelu(h, approximate=False)
    h = jnp.dot(h, W2) + b2
    out = _layer_norm(h, gamma, beta)
    return out

if __name__ == "__main__":
    import jax
    _d = setup_inputs()
    print(jax.jit(kernel)(*tuple(_d.values())))

</pallas_src>

<mosaic_0001>
#map = affine_map<(d0, d1) -> (0, 0)>
#map1 = affine_map<(d0, d1) -> (0)>
module attributes {stable_mosaic.version = 14 : i64} {
  func.func @k(%arg0: i32, %arg1: i32, %arg2: memref<2602496x128xf32, #tpu.memory_space<hbm>>, %arg3: memref<425984xi32, #tpu.memory_space<hbm>>, %arg4: memref<106496x128xf32, #tpu.memory_space<hbm>>, %arg5: memref<416xi32, #tpu.memory_space<vmem>>, %arg6: memref<416xi32, #tpu.memory_space<vmem>>, %arg7: memref<416x128xf32, #tpu.memory_space<vmem>>, %arg8: memref<416x128xf32, #tpu.memory_space<vmem>>, %arg9: memref<104x128xf32, #tpu.memory_space<vmem>>, %arg10: memref<!tpu.dma_semaphore, #tpu.memory_space<semaphore_mem>>, %arg11: memref<!tpu.dma_semaphore, #tpu.memory_space<semaphore_mem>>) attributes {dimension_semantics = [#tpu.dimension_semantics<core_parallel>, #tpu.dimension_semantics<subcore_parallel>], iteration_bounds = array<i64: 2, 16>, scalar_prefetch = 0 : i64, scratch_operands = 7 : i64, tpu.core_type = #tpu.core_type<sc_vector_subcore>, window_params = [{transform_indices = #map}, {transform_indices = #map1}, {transform_indices = #map}]} {
    %mul3A = arith.constant 2 : i32
    %mul3A_0 = arith.muli %arg1, %mul3A : i32
    %add3A = arith.addi %mul3A_0, %arg0 : i32
    %mul3A_1 = arith.constant 13312 : i32
    %mul3A_2 = arith.muli %add3A, %mul3A_1 : i32
    %add3A_3 = arith.constant 0 : i32
    %add3A_4 = arith.addi %mul3A_2, %add3A_3 : i32
    "tpu.region"() ({
      %run_scoped3A = tpu.sem_alloc : memref<!tpu.dma_semaphore, #tpu.memory_space<semaphore_mem>>
      %dma_start3A_11 = tpu.memref_slice %arg3[%add3A_4] : memref<425984xi32, #tpu.memory_space<hbm>> -> memref<416xi32, #tpu.memory_space<hbm>>
      %dma_start3A_12 = tpu.memref_slice %arg3[%add3A_4] : memref<425984xi32, #tpu.memory_space<hbm>> -> memref<416xi32, #tpu.memory_space<hbm>>
      tpu.enqueue_dma source(%dma_start3A_12 : memref<416xi32, #tpu.memory_space<hbm>>) target(%arg5 : memref<416xi32, #tpu.memory_space<vmem>>) target_semaphore(%run_scoped3A : memref<!tpu.dma_semaphore, #tpu.memory_space<semaphore_mem>>)
      %dma_wait3A = tpu.memref_slice %arg3[%add3A_4] : memref<425984xi32, #tpu.memory_space<hbm>> -> memref<416xi32, #tpu.memory_space<hbm>>
      %dma_wait3A_13 = tpu.memref_slice %arg3[%add3A_4] : memref<425984xi32, #tpu.memory_space<hbm>> -> memref<416xi32, #tpu.memory_space<hbm>>
      tpu.wait_dma2 semaphore(%run_scoped3A : memref<!tpu.dma_semaphore, #tpu.memory_space<semaphore_mem>>) src(%dma_wait3A_13 : memref<416xi32, #tpu.memory_space<hbm>>) dst(%arg5 : memref<416xi32, #tpu.memory_space<vmem>>)
      tpu.yield
    }) : () -> ()
    %dma_start3A = arith.constant 0 : i32
    %dma_start3A_5 = arith.constant 0 : i32
    %dma_start3A_6 = tpu.memref_slice %arg2[%dma_start3A, %dma_start3A_5] : memref<2602496x128xf32, #tpu.memory_space<hbm>> -> memref<2602496x128xf32, #tpu.memory_space<hbm>>
    tpu.enqueue_indirect_dma source(%dma_start3A_6 : memref<2602496x128xf32, #tpu.memory_space<hbm>>) target(%arg7 : memref<416x128xf32, #tpu.memory_space<vmem>>) offsets(%arg5 : memref<416xi32, #tpu.memory_space<vmem>>) semaphore(%arg10 : memref<!tpu.dma_semaphore, #tpu.memory_space<semaphore_mem>>)
    %scan3A = arith.constant 0 : i32
    %scan3A_7 = arith.constant 16 : i32
    %scan3A_8 = arith.addi %scan3A, %scan3A_7 : i32
    %scan3A_9 = arith.constant 1 : i32
    scf.for %scan3A_11 = %scan3A to %scan3A_8 step %scan3A_9  : i32 {
      %mul3A_12 = arith.constant 1 : i32
      %mul3A_13 = arith.muli %scan3A_11, %mul3A_12 : i32
      %add3A_14 = arith.constant 0 : i32
      %add3A_15 = arith.addi %add3A_14, %mul3A_13 : i32
      %mul3A_16 = arith.constant 2 : i32
      %mul3A_17 = arith.muli %mul3A_16, %add3A_15 : i32
      %add3A_18 = arith.constant 1 : i32
      %add3A_19 = arith.addi %mul3A_17, %add3A_18 : i32
      %mul3A_20 = arith.constant 416 : i32
      %mul3A_21 = arith.muli %add3A_19, %mul3A_20 : i32
      %add3A_22 = arith.addi %mul3A_2, %mul3A_21 : i32
      "tpu.region"() ({
        %run_scoped3A = tpu.sem_alloc : memref<!tpu.dma_semaphore, #tpu.memory_space<semaphore_mem>>
        %dma_start3A_95 = tpu.memref_slice %arg3[%add3A_22] : memref<425984xi32, #tpu.memory_space<hbm>> -> memref<416xi32, #tpu.memory_space<hbm>>
        %dma_start3A_96 = tpu.memref_slice %arg3[%add3A_22] : memref<425984xi32, #tpu.memory_space<hbm>> -> memref<416xi32, #tpu.memory_space<hbm>>
        tpu.enqueue_dma source(%dma_start3A_96 : memref<416xi32, #tpu.memory_space<hbm>>) target(%arg6 : memref<416xi32, #tpu.memory_space<vmem>>) target_semaphore(%run_scoped3A : memref<!tpu.dma_semaphore, #tpu.memory_space<semaphore_mem>>)
        %dma_wait3A_97 = tpu.memref_slice %arg3[%add3A_22] : memref<425984xi32, #tpu.memory_space<hbm>> -> memref<416xi32, #tpu.memory_space<hbm>>
        %dma_wait3A_98 = tpu.memref_slice %arg3[%add3A_22] : memref<425984xi32, #tpu.memory_space<hbm>> -> memref<416xi32, #tpu.memory_space<hbm>>
        tpu.wait_dma2 semaphore(%run_scoped3A : memref<!tpu.dma_semaphore, #tpu.memory_space<semaphore_mem>>) src(%dma_wait3A_98 : memref<416xi32, #tpu.memory_space<hbm>>) dst(%arg6 : memref<416xi32, #tpu.memory_space<vmem>>)
        tpu.yield
      }) : () -> ()
      %dma_start3A_23 = arith.constant 0 : i32
      %dma_start3A_24 = arith.constant 0 : i32
      %dma_start3A_25 = tpu.memref_slice %arg2[%dma_start3A_23, %dma_start3A_24] : memref<2602496x128xf32, #tpu.memory_space<hbm>> -> memref<2602496x128xf32, #tpu.memory_space<hbm>>
      tpu.enqueue_indirect_dma source(%dma_start3A_25 : memref<2602496x128xf32, #tpu.memory_space<hbm>>) target(%arg8 : memref<416x128xf32, #tpu.memory_space<vmem>>) offsets(%arg6 : memref<416xi32, #tpu.memory_space<vmem>>) semaphore(%arg11 : memref<!tpu.dma_semaphore, #tpu.memory_space<semaphore_mem>>)
      %mul3A_26 = arith.constant 2 : i32
      %mul3A_27 = arith.muli %mul3A_26, %add3A_15 : i32
      %dma_wait3A = arith.constant 0 : i32
      %dma_wait3A_28 = arith.constant 0 : i32
      %dma_wait3A_29 = tpu.memref_slice %arg2[%dma_wait3A, %dma_wait3A_28] : memref<2602496x128xf32, #tpu.memory_space<hbm>> -> memref<2602496x128xf32, #tpu.memory_space<hbm>>
      tpu.wait_indirect_dma semaphore(%arg10 : memref<!tpu.dma_semaphore, #tpu.memory_space<semaphore_mem>>) src(%dma_wait3A_29 : memref<2602496x128xf32, #tpu.memory_space<hbm>>) dst(%arg7 : memref<416x128xf32, #tpu.memory_space<vmem>>)
      %scan3A_30 = arith.constant 0 : i32
      %scan3A_31 = arith.constant 104 : i32
      %scan3A_32 = arith.addi %scan3A_30, %scan3A_31 : i32
      %scan3A_33 = arith.constant 1 : i32
      scf.for %scan3A_95 = %scan3A_30 to %scan3A_32 step %scan3A_33  : i32 {
        %mul3A_96 = arith.constant 1 : i32
        %mul3A_97 = arith.muli %scan3A_95, %mul3A_96 : i32
        %add3A_98 = arith.constant 0 : i32
        %add3A_99 = arith.addi %add3A_98, %mul3A_97 : i32
        %mul3A_100 = arith.constant 4 : i32
        %mul3A_101 = arith.muli %mul3A_100, %add3A_99 : i32
        %add3A_102 = arith.constant 0 : i32
        %add3A_103 = arith.addi %mul3A_101, %add3A_102 : i32
        %get3A = arith.index_cast %add3A_103 : i32 to index
        %get3A_104 = arith.constant 0 : index
        %get3A_105 = tpu.vector_load %arg7[%get3A, %get3A_104] {strides = array<i32>} : memref<416x128xf32, #tpu.memory_space<vmem>>, vector<1x16xf32>,
        %get3A_106 = vector.shape_cast %get3A_105 : vector<1x16xf32> to vector<16xf32>
        %swap3A = arith.index_cast %add3A_99 : i32 to index
        %swap3A_107 = arith.constant 0 : index
        %swap3A_108 = tpu.vector_load %arg9[%swap3A, %swap3A_107] {strides = array<i32>} : memref<104x128xf32, #tpu.memory_space<vmem>>, vector<1x16xf32>,
        %swap3A_109 = vector.shape_cast %swap3A_108 : vector<1x16xf32> to vector<16xf32>
        %swap3A_110 = vector.shape_cast %get3A_106 : vector<16xf32> to vector<1x16xf32>
        tpu.vector_store %arg9[%swap3A, %swap3A_107], %swap3A_110 {strides = array<i32>} : memref<104x128xf32, #tpu.memory_space<vmem>>, vector<1x16xf32>,
        %mul3A_111 = arith.constant 4 : i32
        %mul3A_112 = arith.muli %mul3A_111, %add3A_99 : i32
        %add3A_113 = arith.constant 0 : i32
        %add3A_114 = arith.addi %mul3A_112, %add3A_113 : i32
        %get3A_115 = arith.index_cast %add3A_114 : i32 to index
        %get3A_116 = arith.constant 16 : index
        %get3A_117 = tpu.vector_load %arg7[%get3A_115, %get3A_116] {strides = array<i32>} : memref<416x128xf32, #tpu.memory_space<vmem>>, vector<1x16xf32>,
        %get3A_118 = vector.shape_cast %get3A_117 : vector<1x16xf32> to vector<16xf32>
        %swap3A_119 = arith.index_cast %add3A_99 : i32 to index
        %swap3A_120 = arith.constant 16 : index
        %swap3A_121 = tpu.vector_load %arg9[%swap3A_119, %swap3A_120] {strides = array<i32>} : memref<104x128xf32, #tpu.memory_space<vmem>>, vector<1x16xf32>,
        %swap3A_122 = vector.shape_cast %swap3A_121 : vector<1x16xf32> to vector<16xf32>
        %swap3A_123 = vector.shape_cast %get3A_118 : vector<16xf32> to vector<1x16xf32>
        tpu.vector_store %arg9[%swap3A_119, %swap3A_120], %swap3A_123 {strides = array<i32>} : memref<104x128xf32, #tpu.memory_space<vmem>>, vector<1x16xf32>,
        %mul3A_124 = arith.constant 4 : i32
        %mul3A_125 = arith.muli %mul3A_124, %add3A_99 : i32
        %add3A_126 = arith.constant 1 : i32
        %add3A_127 = arith.addi %mul3A_125, %add3A_126 : i32
        %get3A_128 = arith.index_cast %add3A_127 : i32 to index
        %get3A_129 = arith.constant 0 : index
        %get3A_130 = tpu.vector_load %arg7[%get3A_128, %get3A_129] {strides = array<i32>} : memref<416x128xf32, #tpu.memory_space<vmem>>, vector<1x16xf32>,
        %get3A_131 = vector.shape_cast %get3A_130 : vector<1x16xf32> to vector<16xf32>
        %swap3A_132 = arith.index_cast %add3A_99 : i32 to index
        %swap3A_133 = arith.constant 32 : index
        %swap3A_134 = tpu.vector_load %arg9[%swap3A_132, %swap3A_133] {strides = array<i32>} : memref<104x128xf32, #tpu.memory_space<vmem>>, vector<1x16xf32>,
        %swap3A_135 = vector.shape_cast %swap3A_134 : vector<1x16xf32> to vector<16xf32>
        %swap3A_136 = vector.shape_cast %get3A_131 : vector<16xf32> to vector<1x16xf32>
        tpu.vector_store %arg9[%swap3A_132, %swap3A_133], %swap3A_136 {strides = array<i32>} : memref<104x128xf32, #tpu.memory_space<vmem>>, vector<1x16xf32>,
        %mul3A_137 = arith.constant 4 : i32
        %mul3A_138 = arith.muli %mul3A_137, %add3A_99 : i32
        %add3A_139 = arith.constant 1 : i32
        %add3A_140 = arith.addi %mul3A_138, %add3A_139 : i32
        %get3A_141 = arith.index_cast %add3A_140 : i32 to index
        %get3A_142 = arith.constant 16 : index
        %get3A_143 = tpu.vector_load %arg7[%get3A_141, %get3A_142] {strides = array<i32>} : memref<416x128xf32, #tpu.memory_space<vmem>>, vector<1x16xf32>,
        %get3A_144 = vector.shape_cast %get3A_143 : vector<1x16xf32> to vector<16xf32>
        %swap3A_145 = arith.index_cast %add3A_99 : i32 to index
        %swap3A_146 = arith.constant 48 : index
        %swap3A_147 = tpu.vector_load %arg9[%swap3A_145, %swap3A_146] {strides = array<i32>} : memref<104x128xf32, #tpu.memory_space<vmem>>, vector<1x16xf32>,
        %swap3A_148 = vector.shape_cast %swap3A_147 : vector<1x16xf32> to vector<16xf32>
        %swap3A_149 = vector.shape_cast %get3A_144 : vector<16xf32> to vector<1x16xf32>
        tpu.vector_store %arg9[%swap3A_145, %swap3A_146], %swap3A_149 {strides = array<i32>} : memref<104x128xf32, #tpu.memory_space<vmem>>, vector<1x16xf32>,
        %mul3A_150 = arith.constant 4 : i32
        %mul3A_151 = arith.muli %mul3A_150, %add3A_99 : i32
        %add3A_152 = arith.constant 2 : i32
        %add3A_153 = arith.addi %mul3A_151, %add3A_152 : i32
        %get3A_154 = arith.index_cast %add3A_153 : i32 to index
        %get3A_155 = arith.constant 0 : index
        %get3A_156 = tpu.vector_load %arg7[%get3A_154, %get3A_155] {strides = array<i32>} : memref<416x128xf32, #tpu.memory_space<vmem>>, vector<1x16xf32>,
        %get3A_157 = vector.shape_cast %get3A_156 : vector<1x16xf32> to vector<16xf32>
        %swap3A_158 = arith.index_cast %add3A_99 : i32 to index
        %swap3A_159 = arith.constant 64 : index
        %swap3A_160 = tpu.vector_load %arg9[%swap3A_158, %swap3A_159] {strides = array<i32>} : memref<104x128xf32, #tpu.memory_space<vmem>>, vector<1x16xf32>,
        %swap3A_161 = vector.shape_cast %swap3A_160 : vector<1x16xf32> to vector<16xf32>
        %swap3A_162 = vector.shape_cast %get3A_157 : vector<16xf32> to vector<1x16xf32>
        tpu.vector_store %arg9[%swap3A_158, %swap3A_159], %swap3A_162 {strides = array<i32>} : memref<104x128xf32, #tpu.memory_space<vmem>>, vector<1x16xf32>,
        %mul3A_163 = arith.constant 4 : i32
        %mul3A_164 = arith.muli %mul3A_163, %add3A_99 : i32
        %add3A_165 = arith.constant 2 : i32
        %add3A_166 = arith.addi %mul3A_164, %add3A_165 : i32
        %get3A_167 = arith.index_cast %add3A_166 : i32 to index
        %get3A_168 = arith.constant 16 : index
        %get3A_169 = tpu.vector_load %arg7[%get3A_167, %get3A_168] {strides = array<i32>} : memref<416x128xf32, #tpu.memory_space<vmem>>, vector<1x16xf32>,
        %get3A_170 = vector.shape_cast %get3A_169 : vector<1x16xf32> to vector<16xf32>
        %swap3A_171 = arith.index_cast %add3A_99 : i32 to index
        %swap3A_172 = arith.constant 80 : index
        %swap3A_173 = tpu.vector_load %arg9[%swap3A_171, %swap3A_172] {strides = array<i32>} : memref<104x128xf32, #tpu.memory_space<vmem>>, vector<1x16xf32>,
        %swap3A_174 = vector.shape_cast %swap3A_173 : vector<1x16xf32> to vector<16xf32>
        %swap3A_175 = vector.shape_cast %get3A_170 : vector<16xf32> to vector<1x16xf32>
        tpu.vector_store %arg9[%swap3A_171, %swap3A_172], %swap3A_175 {strides = array<i32>} : memref<104x128xf32, #tpu.memory_space<vmem>>, vector<1x16xf32>,
        %mul3A_176 = arith.constant 4 : i32
        %mul3A_177 = arith.muli %mul3A_176, %add3A_99 : i32
        %add3A_178 = arith.constant 3 : i32
        %add3A_179 = arith.addi %mul3A_177, %add3A_178 : i32
        %get3A_180 = arith.index_cast %add3A_179 : i32 to index
        %get3A_181 = arith.constant 0 : index
        %get3A_182 = tpu.vector_load %arg7[%get3A_180, %get3A_181] {strides = array<i32>} : memref<416x128xf32, #tpu.memory_space<vmem>>, vector<1x16xf32>,
        %get3A_183 = vector.shape_cast %get3A_182 : vector<1x16xf32> to vector<16xf32>
        %swap3A_184 = arith.index_cast %add3A_99 : i32 to index
        %swap3A_185 = arith.constant 96 : index
        %swap3A_186 = tpu.vector_load %arg9[%swap3A_184, %swap3A_185] {strides = array<i32>} : memref<104x128xf32, #tpu.memory_space<vmem>>, vector<1x16xf32>,
        %swap3A_187 = vector.shape_cast %swap3A_186 : vector<1x16xf32> to vector<16xf32>
        %swap3A_188 = vector.shape_cast %get3A_183 : vector<16xf32> to vector<1x16xf32>
        tpu.vector_store %arg9[%swap3A_184, %swap3A_185], %swap3A_188 {strides = array<i32>} : memref<104x128xf32, #tpu.memory_space<vmem>>, vector<1x16xf32>,
        %mul3A_189 = arith.constant 4 : i32
        %mul3A_190 = arith.muli %mul3A_189, %add3A_99 : i32
        %add3A_191 = arith.constant 3 : i32
        %add3A_192 = arith.addi %mul3A_190, %add3A_191 : i32
        %get3A_193 = arith.index_cast %add3A_192 : i32 to index
        %get3A_194 = arith.constant 16 : index
        %get3A_195 = tpu.vector_load %arg7[%get3A_193, %get3A_194] {strides = array<i32>} : memref<416x128xf32, #tpu.memory_space<vmem>>, vector<1x16xf32>,
        %get3A_196 = vector.shape_cast %get3A_195 : vector<1x16xf32> to vector<16xf32>
        %swap3A_197 = arith.index_cast %add3A_99 : i32 to index
        %swap3A_198 = arith.constant 112 : index
        %swap3A_199 = tpu.vector_load %arg9[%swap3A_197, %swap3A_198] {strides = array<i32>} : memref<104x128xf32, #tpu.memory_space<vmem>>, vector<1x16xf32>,
        %swap3A_200 = vector.shape_cast %swap3A_199 : vector<1x16xf32> to vector<16xf32>
        %swap3A_201 = vector.shape_cast %get3A_196 : vector<16xf32> to vector<1x16xf32>
        tpu.vector_store %arg9[%swap3A_197, %swap3A_198], %swap3A_201 {strides = array<i32>} : memref<104x128xf32, #tpu.memory_space<vmem>>, vector<1x16xf32>,
      }
      %scan3A_34 = arith.constant 104 : i32
      %mul3A_35 = arith.constant 416 : i32
      %mul3A_36 = arith.muli %mul3A_27, %mul3A_35 : i32
      %add3A_37 = arith.addi %mul3A_2, %mul3A_36 : i32
      %jit3A = arith.constant 4 : i32
      %div3A = arith.divsi %add3A_37, %jit3A : i32
      %sign3A = arith.constant 0 : i32
      %sign3A_38 = arith.cmpi sgt, %add3A_37, %sign3A : i32
      %sign3A_39 = arith.extui %sign3A_38 : i1 to i32
      %sign3A_40 = arith.constant 0 : i32
      %sign3A_41 = arith.cmpi slt, %add3A_37, %sign3A_40 : i32
      %sign3A_42 = arith.extui %sign3A_41 : i1 to i32
      %sign3A_43 = arith.subi %sign3A_39, %sign3A_42 : i32
      %sign3A_44 = arith.constant 0 : i32
      %sign3A_45 = arith.cmpi sgt, %jit3A, %sign3A_44 : i32
      %sign3A_46 = arith.extui %sign3A_45 : i1 to i32
      %sign3A_47 = arith.constant 0 : i32
      %sign3A_48 = arith.cmpi slt, %jit3A, %sign3A_47 : i32
      %sign3A_49 = arith.extui %sign3A_48 : i1 to i32
      %sign3A_50 = arith.subi %sign3A_46, %sign3A_49 : i32
      %ne3A = arith.cmpi ne, %sign3A_43, %sign3A_50 : i32
      %rem3A = arith.remsi %add3A_37, %jit3A : i32
      %ne3A_51 = arith.constant 0 : i32
      %ne3A_52 = arith.cmpi ne, %rem3A, %ne3A_51 : i32
      %and3A = arith.andi %ne3A, %ne3A_52 : i1
      %sub3A = arith.constant 1 : i32
      %sub3A_53 = arith.subi %div3A, %sub3A : i32
      %select_n3A = arith.select %and3A, %sub3A_53, %div3A : i32
      "tpu.region"() ({
        %run_scoped3A = tpu.sem_alloc : memref<!tpu.dma_semaphore, #tpu.memory_space<semaphore_mem>>
        %dma_start3A_95 = arith.constant 0 : i32
        %dma_start3A_96 = tpu.memref_slice %arg4[%select_n3A, %dma_start3A_95] : memref<106496x128xf32, #tpu.memory_space<hbm>> -> memref<104x128xf32, #tpu.memory_space<hbm>>
        %dma_start3A_97 = arith.constant 0 : i32
        %dma_start3A_98 = tpu.memref_slice %arg4[%select_n3A, %dma_start3A_97] : memref<106496x128xf32, #tpu.memory_space<hbm>> -> memref<104x128xf32, #tpu.memory_space<hbm>>
        tpu.enqueue_dma source(%arg9 : memref<104x128xf32, #tpu.memory_space<vmem>>) target(%dma_start3A_98 : memref<104x128xf32, #tpu.memory_space<hbm>>) target_semaphore(%run_scoped3A : memref<!tpu.dma_semaphore, #tpu.memory_space<semaphore_mem>>)
        %dma_wait3A_99 = arith.constant 0 : i32
        %dma_wait3A_100 = tpu.memref_slice %arg4[%select_n3A, %dma_wait3A_99] : memref<106496x128xf32, #tpu.memory_space<hbm>> -> memref<104x128xf32, #tpu.memory_space<hbm>>
        %dma_wait3A_101 = arith.constant 0 : i32
        %dma_wait3A_102 = tpu.memref_slice %arg4[%select_n3A, %dma_wait3A_101] : memref<106496x128xf32, #tpu.memory_space<hbm>> -> memref<104x128xf32, #tpu.memory_space<hbm>>
        tpu.wait_dma2 semaphore(%run_scoped3A : memref<!tpu.dma_semaphore, #tpu.memory_space<semaphore_mem>>) src(%arg9 : memref<104x128xf32, #tpu.memory_space<vmem>>) dst(%dma_wait3A_102 : memref<104x128xf32, #tpu.memory_space<hbm>>)
        tpu.yield
      }) : () -> ()
      %lt3A = arith.constant 15 : i32
      %lt3A_54 = arith.cmpi slt, %add3A_15, %lt3A : i32
      %convert_element_type3A = arith.extui %lt3A_54 : i1 to i32
      %cond3A = arith.constant 0 : i32
      %cond3A_55 = arith.cmpi ne, %convert_element_type3A, %cond3A : i32
      scf.if %cond3A_55 {
        %mul3A_95 = arith.constant 2 : i32
        %mul3A_96 = arith.muli %mul3A_95, %add3A_15 : i32
        %add3A_97 = arith.constant 2 : i32
        %add3A_98 = arith.addi %mul3A_96, %add3A_97 : i32
        %mul3A_99 = arith.constant 416 : i32
        %mul3A_100 = arith.muli %add3A_98, %mul3A_99 : i32
        %add3A_101 = arith.addi %mul3A_2, %mul3A_100 : i32
        "tpu.region"() ({
          %run_scoped3A = tpu.sem_alloc : memref<!tpu.dma_semaphore, #tpu.memory_space<semaphore_mem>>
          %dma_start3A_105 = tpu.memref_slice %arg3[%add3A_101] : memref<425984xi32, #tpu.memory_space<hbm>> -> memref<416xi32, #tpu.memory_space<hbm>>
          %dma_start3A_106 = tpu.memref_slice %arg3[%add3A_101] : memref<425984xi32, #tpu.memory_space<hbm>> -> memref<416xi32, #tpu.memory_space<hbm>>
          tpu.enqueue_dma source(%dma_start3A_106 : memref<416xi32, #tpu.memory_space<hbm>>) target(%arg5 : memref<416xi32, #tpu.memory_space<vmem>>) target_semaphore(%run_scoped3A : memref<!tpu.dma_semaphore, #tpu.memory_space<semaphore_mem>>)
          %dma_wait3A_107 = tpu.memref_slice %arg3[%add3A_101] : memref<425984xi32, #tpu.memory_space<hbm>> -> memref<416xi32, #tpu.memory_space<hbm>>
          %dma_wait3A_108 = tpu.memref_slice %arg3[%add3A_101] : memref<425984xi32, #tpu.memory_space<hbm>> -> memref<416xi32, #tpu.memory_space<hbm>>
          tpu.wait_dma2 semaphore(%run_scoped3A : memref<!tpu.dma_semaphore, #tpu.memory_space<semaphore_mem>>) src(%dma_wait3A_108 : memref<416xi32, #tpu.memory_space<hbm>>) dst(%arg5 : memref<416xi32, #tpu.memory_space<vmem>>)
          tpu.yield
        }) : () -> ()
        %dma_start3A_102 = arith.constant 0 : i32
        %dma_start3A_103 = arith.constant 0 : i32
        %dma_start3A_104 = tpu.memref_slice %arg2[%dma_start3A_102, %dma_start3A_103] : memref<2602496x128xf32, #tpu.memory_space<hbm>> -> memref<2602496x128xf32, #tpu.memory_space<hbm>>
        tpu.enqueue_indirect_dma source(%dma_start3A_104 : memref<2602496x128xf32, #tpu.memory_space<hbm>>) target(%arg7 : memref<416x128xf32, #tpu.memory_space<vmem>>) offsets(%arg5 : memref<416xi32, #tpu.memory_space<vmem>>) semaphore(%arg10 : memref<!tpu.dma_semaphore, #tpu.memory_space<semaphore_mem>>)
      } else {
      }
      %mul3A_56 = arith.constant 2 : i32
      %mul3A_57 = arith.muli %mul3A_56, %add3A_15 : i32
      %add3A_58 = arith.constant 1 : i32
      %add3A_59 = arith.addi %mul3A_57, %add3A_58 : i32
      %dma_wait3A_60 = arith.constant 0 : i32
      %dma_wait3A_61 = arith.constant 0 : i32
      %dma_wait3A_62 = tpu.memref_slice %arg2[%dma_wait3A_60, %dma_wait3A_61] : memref<2602496x128xf32, #tpu.memory_space<hbm>> -> memref<2602496x128xf32, #tpu.memory_space<hbm>>
      tpu.wait_indirect_dma semaphore(%arg11 : memref<!tpu.dma_semaphore, #tpu.memory_space<semaphore_mem>>) src(%dma_wait3A_62 : memref<2602496x128xf32, #tpu.memory_space<hbm>>) dst(%arg8 : memref<416x128xf32, #tpu.memory_space<vmem>>)
      %scan3A_63 = arith.constant 0 : i32
      %scan3A_64 = arith.constant 104 : i32
      %scan3A_65 = arith.addi %scan3A_63, %scan3A_64 : i32
      %scan3A_66 = arith.constant 1 : i32
      scf.for %scan3A_95 = %scan3A_63 to %scan3A_65 step %scan3A_66  : i32 {
        %mul3A_96 = arith.constant 1 : i32
        %mul3A_97 = arith.muli %scan3A_95, %mul3A_96 : i32
        %add3A_98 = arith.constant 0 : i32
        %add3A_99 = arith.addi %add3A_98, %mul3A_97 : i32
        %mul3A_100 = arith.constant 4 : i32
        %mul3A_101 = arith.muli %mul3A_100, %add3A_99 : i32
        %add3A_102 = arith.constant 0 : i32
        %add3A_103 = arith.addi %mul3A_101, %add3A_102 : i32
        %get3A = arith.index_cast %add3A_103 : i32 to index
        %get3A_104 = arith.constant 0 : index
        %get3A_105 = tpu.vector_load %arg8[%get3A, %get3A_104] {strides = array<i32>} : memref<416x128xf32, #tpu.memory_space<vmem>>, vector<1x16xf32>,
        %get3A_106 = vector.shape_cast %get3A_105 : vector<1x16xf32> to vector<16xf32>
        %swap3A = arith.index_cast %add3A_99 : i32 to index
        %swap3A_107 = arith.constant 0 : index
        %swap3A_108 = tpu.vector_load %arg9[%swap3A, %swap3A_107] {strides = array<i32>} : memref<104x128xf32, #tpu.memory_space<vmem>>, vector<1x16xf32>,
        %swap3A_109 = vector.shape_cast %swap3A_108 : vector<1x16xf32> to vector<16xf32>
        %swap3A_110 = vector.shape_cast %get3A_106 : vector<16xf32> to vector<1x16xf32>
        tpu.vector_store %arg9[%swap3A, %swap3A_107], %swap3A_110 {strides = array<i32>} : memref<104x128xf32, #tpu.memory_space<vmem>>, vector<1x16xf32>,
        %mul3A_111 = arith.constant 4 : i32
        %mul3A_112 = arith.muli %mul3A_111, %add3A_99 : i32
        %add3A_113 = arith.constant 0 : i32
        %add3A_114 = arith.addi %mul3A_112, %add3A_113 : i32
        %get3A_115 = arith.index_cast %add3A_114 : i32 to index
        %get3A_116 = arith.constant 16 : index
        %get3A_117 = tpu.vector_load %arg8[%get3A_115, %get3A_116] {strides = array<i32>} : memref<416x128xf32, #tpu.memory_space<vmem>>, vector<1x16xf32>,
        %get3A_118 = vector.shape_cast %get3A_117 : vector<1x16xf32> to vector<16xf32>
        %swap3A_119 = arith.index_cast %add3A_99 : i32 to index
        %swap3A_120 = arith.constant 16 : index
        %swap3A_121 = tpu.vector_load %arg9[%swap3A_119, %swap3A_120] {strides = array<i32>} : memref<104x128xf32, #tpu.memory_space<vmem>>, vector<1x16xf32>,
        %swap3A_122 = vector.shape_cast %swap3A_121 : vector<1x16xf32> to vector<16xf32>
        %swap3A_123 = vector.shape_cast %get3A_118 : vector<16xf32> to vector<1x16xf32>
        tpu.vector_store %arg9[%swap3A_119, %swap3A_120], %swap3A_123 {strides = array<i32>} : memref<104x128xf32, #tpu.memory_space<vmem>>, vector<1x16xf32>,
        %mul3A_124 = arith.constant 4 : i32
        %mul3A_125 = arith.muli %mul3A_124, %add3A_99 : i32
        %add3A_126 = arith.constant 1 : i32
        %add3A_127 = arith.addi %mul3A_125, %add3A_126 : i32
        %get3A_128 = arith.index_cast %add3A_127 : i32 to index
        %get3A_129 = arith.constant 0 : index
        %get3A_130 = tpu.vector_load %arg8[%get3A_128, %get3A_129] {strides = array<i32>} : memref<416x128xf32, #tpu.memory_space<vmem>>, vector<1x16xf32>,
        %get3A_131 = vector.shape_cast %get3A_130 : vector<1x16xf32> to vector<16xf32>
        %swap3A_132 = arith.index_cast %add3A_99 : i32 to index
        %swap3A_133 = arith.constant 32 : index
        %swap3A_134 = tpu.vector_load %arg9[%swap3A_132, %swap3A_133] {strides = array<i32>} : memref<104x128xf32, #tpu.memory_space<vmem>>, vector<1x16xf32>,
        %swap3A_135 = vector.shape_cast %swap3A_134 : vector<1x16xf32> to vector<16xf32>
        %swap3A_136 = vector.shape_cast %get3A_131 : vector<16xf32> to vector<1x16xf32>
        tpu.vector_store %arg9[%swap3A_132, %swap3A_133], %swap3A_136 {strides = array<i32>} : memref<104x128xf32, #tpu.memory_space<vmem>>, vector<1x16xf32>,
        %mul3A_137 = arith.constant 4 : i32
        %mul3A_138 = arith.muli %mul3A_137, %add3A_99 : i32
        %add3A_139 = arith.constant 1 : i32
        %add3A_140 = arith.addi %mul3A_138, %add3A_139 : i32
        %get3A_141 = arith.index_cast %add3A_140 : i32 to index
        %get3A_142 = arith.constant 16 : index
        %get3A_143 = tpu.vector_load %arg8[%get3A_141, %get3A_142] {strides = array<i32>} : memref<416x128xf32, #tpu.memory_space<vmem>>, vector<1x16xf32>,
        %get3A_144 = vector.shape_cast %get3A_143 : vector<1x16xf32> to vector<16xf32>
        %swap3A_145 = arith.index_cast %add3A_99 : i32 to index
        %swap3A_146 = arith.constant 48 : index
        %swap3A_147 = tpu.vector_load %arg9[%swap3A_145, %swap3A_146] {strides = array<i32>} : memref<104x128xf32, #tpu.memory_space<vmem>>, vector<1x16xf32>,
        %swap3A_148 = vector.shape_cast %swap3A_147 : vector<1x16xf32> to vector<16xf32>
        %swap3A_149 = vector.shape_cast %get3A_144 : vector<16xf32> to vector<1x16xf32>
        tpu.vector_store %arg9[%swap3A_145, %swap3A_146], %swap3A_149 {strides = array<i32>} : memref<104x128xf32, #tpu.memory_space<vmem>>, vector<1x16xf32>,
        %mul3A_150 = arith.constant 4 : i32
        %mul3A_151 = arith.muli %mul3A_150, %add3A_99 : i32
        %add3A_152 = arith.constant 2 : i32
        %add3A_153 = arith.addi %mul3A_151, %add3A_152 : i32
        %get3A_154 = arith.index_cast %add3A_153 : i32 to index
        %get3A_155 = arith.constant 0 : index
        %get3A_156 = tpu.vector_load %arg8[%get3A_154, %get3A_155] {strides = array<i32>} : memref<416x128xf32, #tpu.memory_space<vmem>>, vector<1x16xf32>,
        %get3A_157 = vector.shape_cast %get3A_156 : vector<1x16xf32> to vector<16xf32>
        %swap3A_158 = arith.index_cast %add3A_99 : i32 to index
        %swap3A_159 = arith.constant 64 : index
        %swap3A_160 = tpu.vector_load %arg9[%swap3A_158, %swap3A_159] {strides = array<i32>} : memref<104x128xf32, #tpu.memory_space<vmem>>, vector<1x16xf32>,
        %swap3A_161 = vector.shape_cast %swap3A_160 : vector<1x16xf32> to vector<16xf32>
        %swap3A_162 = vector.shape_cast %get3A_157 : vector<16xf32> to vector<1x16xf32>
        tpu.vector_store %arg9[%swap3A_158, %swap3A_159], %swap3A_162 {strides = array<i32>} : memref<104x128xf32, #tpu.memory_space<vmem>>, vector<1x16xf32>,
        %mul3A_163 = arith.constant 4 : i32
        %mul3A_164 = arith.muli %mul3A_163, %add3A_99 : i32
        %add3A_165 = arith.constant 2 : i32
        %add3A_166 = arith.addi %mul3A_164, %add3A_165 : i32
        %get3A_167 = arith.index_cast %add3A_166 : i32 to index
        %get3A_168 = arith.constant 16 : index
        %get3A_169 = tpu.vector_load %arg8[%get3A_167, %get3A_168] {strides = array<i32>} : memref<416x128xf32, #tpu.memory_space<vmem>>, vector<1x16xf32>,
        %get3A_170 = vector.shape_cast %get3A_169 : vector<1x16xf32> to vector<16xf32>
        %swap3A_171 = arith.index_cast %add3A_99 : i32 to index
        %swap3A_172 = arith.constant 80 : index
        %swap3A_173 = tpu.vector_load %arg9[%swap3A_171, %swap3A_172] {strides = array<i32>} : memref<104x128xf32, #tpu.memory_space<vmem>>, vector<1x16xf32>,
        %swap3A_174 = vector.shape_cast %swap3A_173 : vector<1x16xf32> to vector<16xf32>
        %swap3A_175 = vector.shape_cast %get3A_170 : vector<16xf32> to vector<1x16xf32>
        tpu.vector_store %arg9[%swap3A_171, %swap3A_172], %swap3A_175 {strides = array<i32>} : memref<104x128xf32, #tpu.memory_space<vmem>>, vector<1x16xf32>,
        %mul3A_176 = arith.constant 4 : i32
        %mul3A_177 = arith.muli %mul3A_176, %add3A_99 : i32
        %add3A_178 = arith.constant 3 : i32
        %add3A_179 = arith.addi %mul3A_177, %add3A_178 : i32
        %get3A_180 = arith.index_cast %add3A_179 : i32 to index
        %get3A_181 = arith.constant 0 : index
        %get3A_182 = tpu.vector_load %arg8[%get3A_180, %get3A_181] {strides = array<i32>} : memref<416x128xf32, #tpu.memory_space<vmem>>, vector<1x16xf32>,
        %get3A_183 = vector.shape_cast %get3A_182 : vector<1x16xf32> to vector<16xf32>
        %swap3A_184 = arith.index_cast %add3A_99 : i32 to index
        %swap3A_185 = arith.constant 96 : index
        %swap3A_186 = tpu.vector_load %arg9[%swap3A_184, %swap3A_185] {strides = array<i32>} : memref<104x128xf32, #tpu.memory_space<vmem>>, vector<1x16xf32>,
        %swap3A_187 = vector.shape_cast %swap3A_186 : vector<1x16xf32> to vector<16xf32>
        %swap3A_188 = vector.shape_cast %get3A_183 : vector<16xf32> to vector<1x16xf32>
        tpu.vector_store %arg9[%swap3A_184, %swap3A_185], %swap3A_188 {strides = array<i32>} : memref<104x128xf32, #tpu.memory_space<vmem>>, vector<1x16xf32>,
        %mul3A_189 = arith.constant 4 : i32
        %mul3A_190 = arith.muli %mul3A_189, %add3A_99 : i32
        %add3A_191 = arith.constant 3 : i32
        %add3A_192 = arith.addi %mul3A_190, %add3A_191 : i32
        %get3A_193 = arith.index_cast %add3A_192 : i32 to index
        %get3A_194 = arith.constant 16 : index
        %get3A_195 = tpu.vector_load %arg8[%get3A_193, %get3A_194] {strides = array<i32>} : memref<416x128xf32, #tpu.memory_space<vmem>>, vector<1x16xf32>,
        %get3A_196 = vector.shape_cast %get3A_195 : vector<1x16xf32> to vector<16xf32>
        %swap3A_197 = arith.index_cast %add3A_99 : i32 to index
        %swap3A_198 = arith.constant 112 : index
        %swap3A_199 = tpu.vector_load %arg9[%swap3A_197, %swap3A_198] {strides = array<i32>} : memref<104x128xf32, #tpu.memory_space<vmem>>, vector<1x16xf32>,
        %swap3A_200 = vector.shape_cast %swap3A_199 : vector<1x16xf32> to vector<16xf32>
        %swap3A_201 = vector.shape_cast %get3A_196 : vector<16xf32> to vector<1x16xf32>
        tpu.vector_store %arg9[%swap3A_197, %swap3A_198], %swap3A_201 {strides = array<i32>} : memref<104x128xf32, #tpu.memory_space<vmem>>, vector<1x16xf32>,
      }
      %scan3A_67 = arith.constant 104 : i32
      %mul3A_68 = arith.constant 416 : i32
      %mul3A_69 = arith.muli %add3A_59, %mul3A_68 : i32
      %add3A_70 = arith.addi %mul3A_2, %mul3A_69 : i32
      %jit3A_71 = arith.constant 4 : i32
      %div3A_72 = arith.divsi %add3A_70, %jit3A_71 : i32
      %sign3A_73 = arith.constant 0 : i32
      %sign3A_74 = arith.cmpi sgt, %add3A_70, %sign3A_73 : i32
      %sign3A_75 = arith.extui %sign3A_74 : i1 to i32
      %sign3A_76 = arith.constant 0 : i32
      %sign3A_77 = arith.cmpi slt, %add3A_70, %sign3A_76 : i32
      %sign3A_78 = arith.extui %sign3A_77 : i1 to i32
      %sign3A_79 = arith.subi %sign3A_75, %sign3A_78 : i32
      %sign3A_80 = arith.constant 0 : i32
      %sign3A_81 = arith.cmpi sgt, %jit3A_71, %sign3A_80 : i32
      %sign3A_82 = arith.extui %sign3A_81 : i1 to i32
      %sign3A_83 = arith.constant 0 : i32
      %sign3A_84 = arith.cmpi slt, %jit3A_71, %sign3A_83 : i32
      %sign3A_85 = arith.extui %sign3A_84 : i1 to i32
      %sign3A_86 = arith.subi %sign3A_82, %sign3A_85 : i32
      %ne3A_87 = arith.cmpi ne, %sign3A_79, %sign3A_86 : i32
      %rem3A_88 = arith.remsi %add3A_70, %jit3A_71 : i32
      %ne3A_89 = arith.constant 0 : i32
      %ne3A_90 = arith.cmpi ne, %rem3A_88, %ne3A_89 : i32
      %and3A_91 = arith.andi %ne3A_87, %ne3A_90 : i1
      %sub3A_92 = arith.constant 1 : i32
      %sub3A_93 = arith.subi %div3A_72, %sub3A_92 : i32
      %select_n3A_94 = arith.select %and3A_91, %sub3A_93, %div3A_72 : i32
      "tpu.region"() ({
        %run_scoped3A = tpu.sem_alloc : memref<!tpu.dma_semaphore, #tpu.memory_space<semaphore_mem>>
        %dma_start3A_95 = arith.constant 0 : i32
        %dma_start3A_96 = tpu.memref_slice %arg4[%select_n3A_94, %dma_start3A_95] : memref<106496x128xf32, #tpu.memory_space<hbm>> -> memref<104x128xf32, #tpu.memory_space<hbm>>
        %dma_start3A_97 = arith.constant 0 : i32
        %dma_start3A_98 = tpu.memref_slice %arg4[%select_n3A_94, %dma_start3A_97] : memref<106496x128xf32, #tpu.memory_space<hbm>> -> memref<104x128xf32, #tpu.memory_space<hbm>>
        tpu.enqueue_dma source(%arg9 : memref<104x128xf32, #tpu.memory_space<vmem>>) target(%dma_start3A_98 : memref<104x128xf32, #tpu.memory_space<hbm>>) target_semaphore(%run_scoped3A : memref<!tpu.dma_semaphore, #tpu.memory_space<semaphore_mem>>)
        %dma_wait3A_99 = arith.constant 0 : i32
        %dma_wait3A_100 = tpu.memref_slice %arg4[%select_n3A_94, %dma_wait3A_99] : memref<106496x128xf32, #tpu.memory_space<hbm>> -> memref<104x128xf32, #tpu.memory_space<hbm>>
        %dma_wait3A_101 = arith.constant 0 : i32
        %dma_wait3A_102 = tpu.memref_slice %arg4[%select_n3A_94, %dma_wait3A_101] : memref<106496x128xf32, #tpu.memory_space<hbm>> -> memref<104x128xf32, #tpu.memory_space<hbm>>
        tpu.wait_dma2 semaphore(%run_scoped3A : memref<!tpu.dma_semaphore, #tpu.memory_space<semaphore_mem>>) src(%arg9 : memref<104x128xf32, #tpu.memory_space<vmem>>) dst(%dma_wait3A_102 : memref<104x128xf32, #tpu.memory_space<hbm>>)
        tpu.yield
      }) : () -> ()
    }
    %scan3A_10 = arith.constant 16 : i32
    return
  }
}

module attributes {stable_mosaic.version = 14 : i64} {
  func.func @_tpose_body(%arg0: i32, %arg1: i32, %arg2: memref<1x32x5888xf32, #tpu.memory_space<vmem>>, %arg3: memref<5888x128xf32, #tpu.memory_space<vmem>>) attributes {dimension_semantics = [#tpu.dimension_semantics<parallel>, #tpu.dimension_semantics<parallel>], iteration_bounds = array<i64: 26, 17>, scalar_prefetch = 0 : i64, scratch_operands = 0 : i64, tpu.core_type = #tpu.core_type<tc>, window_params = [{transform_indices = @transform_0, window_bounds = array<i64: 1, 32, 5888>}, {transform_indices = @transform_1, window_bounds = array<i64: 5888, 128>}]} {
    %get3A = arith.constant 0 : index
    %get3A_0 = arith.constant 0 : index
    %get3A_1 = arith.constant 0 : index
    %get3A_2 = vector.load %arg2[%get3A, %get3A_0, %get3A_1] : memref<1x32x5888xf32, #tpu.memory_space<vmem>>, vector<1x32x5888xf32>
    %get3A_3 = vector.shape_cast %get3A_2 : vector<1x32x5888xf32> to vector<32x5888xf32>
    %transpose3A = tpu.transpose %get3A_3, [1, 0] : vector<32x5888xf32> -> vector<5888x32xf32>
    %swap3A = arith.constant 0 : index
    %swap3A_4 = arith.constant 0 : index
    %swap3A_5 = vector.load %arg3[%swap3A, %swap3A_4] : memref<5888x128xf32, #tpu.memory_space<vmem>>, vector<5888x32xf32>
    tpu.vector_store %arg3[%swap3A, %swap3A_4], %transpose3A {strides = array<i32>} : memref<5888x128xf32, #tpu.memory_space<vmem>>, vector<5888x32xf32>,
    return
  }
  func.func @transform_0(%arg0: i32, %arg1: i32) -> (i32, i32, i32) {
    %c0_i32 = arith.constant 0 : i32
    %c0_i32_0 = arith.constant 0 : i32
    return %arg0, %c0_i32, %arg1 : i32, i32, i32
  }
  func.func @transform_1(%arg0: i32, %arg1: i32) -> (i32, i32) {
    %mul3A = arith.constant 17 : i32
    %mul3A_0 = arith.muli %mul3A, %arg0 : i32
    %add3A = arith.addi %mul3A_0, %arg1 : i32
    %c0_i32 = arith.constant 0 : i32
    %c0_i32_1 = arith.constant 0 : i32
    return %add3A, %c0_i32 : i32, i32
  }
}

module attributes {stable_mosaic.version = 14 : i64} {
  func.func @_cat_body(%arg0: i32, %arg1: memref<2048x128xf32, #tpu.memory_space<vmem>>, %arg2: memref<128x256xf32, #tpu.memory_space<vmem>>, %arg3: memref<1x256xf32, #tpu.memory_space<vmem>>, %arg4: memref<256x128xf32, #tpu.memory_space<vmem>>, %arg5: memref<1x128xf32, #tpu.memory_space<vmem>>, %arg6: memref<1x128xf32, #tpu.memory_space<vmem>>, %arg7: memref<1x128xf32, #tpu.memory_space<vmem>>, %arg8: memref<128x128xf32, #tpu.memory_space<vmem>>, %arg9: memref<2048x128xf32, #tpu.memory_space<vmem>>) attributes {dimension_semantics = [#tpu.dimension_semantics<arbitrary>], iteration_bounds = array<i64: 52>, scalar_prefetch = 0 : i64, scratch_operands = 0 : i64, tpu.core_type = #tpu.core_type<tc>, window_params = [{transform_indices = @transform_0, window_bounds = array<i64: 2048, 128>}, {pipeline_mode = #tpu.pipeline_mode<synchronous>, transform_indices = @transform_1, window_bounds = array<i64: 128, 256>}, {pipeline_mode = #tpu.pipeline_mode<synchronous>, transform_indices = @transform_2, window_bounds = array<i64: 1, 256>}, {pipeline_mode = #tpu.pipeline_mode<synchronous>, transform_indices = @transform_3, window_bounds = array<i64: 256, 128>}, {pipeline_mode = #tpu.pipeline_mode<synchronous>, transform_indices = @transform_4, window_bounds = array<i64: 1, 128>}, {pipeline_mode = #tpu.pipeline_mode<synchronous>, transform_indices = @transform_5, window_bounds = array<i64: 1, 128>}, {pipeline_mode = #tpu.pipeline_mode<synchronous>, transform_indices = @transform_6, window_bounds = array<i64: 1, 128>}, {pipeline_mode = #tpu.pipeline_mode<synchronous>, transform_indices = @transform_7, window_bounds = array<i64: 128, 128>}, {transform_indices = @transform_8, window_bounds = array<i64: 2048, 128>}]} {
    %get3A = arith.constant 0 : index
    %get3A_0 = arith.constant 0 : index
    %get3A_1 = vector.load %arg1[%get3A, %get3A_0] : memref<2048x128xf32, #tpu.memory_space<vmem>>, vector<2048x128xf32>
    %get3A_2 = arith.constant 0 : index
    %get3A_3 = arith.constant 0 : index
    %get3A_4 = vector.load %arg2[%get3A_2, %get3A_3] : memref<128x256xf32, #tpu.memory_space<vmem>>, vector<128x256xf32>
    %get3A_5 = arith.constant 0 : index
    %get3A_6 = arith.constant 0 : index
    %get3A_7 = vector.load %arg3[%get3A_5, %get3A_6] : memref<1x256xf32, #tpu.memory_space<vmem>>, vector<1x256xf32>
    %get3A_8 = arith.constant 0 : index
    %get3A_9 = arith.constant 0 : index
    %get3A_10 = vector.load %arg4[%get3A_8, %get3A_9] : memref<256x128xf32, #tpu.memory_space<vmem>>, vector<256x128xf32>
    %get3A_11 = arith.constant 0 : index
    %get3A_12 = arith.constant 0 : index
    %get3A_13 = vector.load %arg5[%get3A_11, %get3A_12] : memref<1x128xf32, #tpu.memory_space<vmem>>, vector<1x128xf32>
    %get3A_14 = arith.constant 0 : index
    %get3A_15 = arith.constant 0 : index
    %get3A_16 = vector.load %arg6[%get3A_14, %get3A_15] : memref<1x128xf32, #tpu.memory_space<vmem>>, vector<1x128xf32>
    %get3A_17 = arith.constant 0 : index
    %get3A_18 = arith.constant 0 : index
    %get3A_19 = vector.load %arg7[%get3A_17, %get3A_18] : memref<1x128xf32, #tpu.memory_space<vmem>>, vector<1x128xf32>
    %get3A_20 = arith.constant 0 : index
    %get3A_21 = arith.constant 0 : index
    %get3A_22 = vector.load %arg8[%get3A_20, %get3A_21] : memref<128x128xf32, #tpu.memory_space<vmem>>, vector<128x128xf32>
    %dot_general3A = arith.constant dense<0.000000e+00> : vector<2048x256xf32>
    %dot_general3A_23 = tpu.matmul %get3A_1, %get3A_4, %dot_general3A {dimension_numbers = #tpu.dot_dimension_numbers<[1], [0], [0], [1], [0, 0, 1, 1], [], []>, transpose_lhs_hint = false} : vector<2048x128xf32>, vector<128x256xf32>, vector<2048x256xf32> -> vector<2048x256xf32>
    %add3A = vector.broadcast %get3A_7 : vector<1x256xf32> to vector<2048x256xf32>
    %add3A_24 = arith.addf %dot_general3A_23, %add3A : vector<2048x256xf32>
    %mul3A = arith.constant 5.000000e-01 : f32
    %mul3A_25 = vector.broadcast %mul3A : f32 to vector<2048x256xf32>
    %mul3A_26 = arith.mulf %mul3A_25, %add3A_24 : vector<2048x256xf32>
    %div3A = arith.constant 1.41421354 : f32
    %div3A_27 = vector.broadcast %div3A : f32 to vector<2048x256xf32>
    %div3A_28 = arith.divf %add3A_24, %div3A_27 : vector<2048x256xf32>
    %erf3A = math.erf %div3A_28 : vector<2048x256xf32>
    %add3A_29 = arith.constant 1.000000e+00 : f32
    %add3A_30 = vector.broadcast %add3A_29 : f32 to vector<2048x256xf32>
    %add3A_31 = arith.addf %add3A_30, %erf3A : vector<2048x256xf32>
    %mul3A_32 = arith.mulf %mul3A_26, %add3A_31 : vector<2048x256xf32>
    %dot_general3A_33 = arith.constant dense<0.000000e+00> : vector<2048x128xf32>
    %dot_general3A_34 = tpu.matmul %mul3A_32, %get3A_10, %dot_general3A_33 {dimension_numbers = #tpu.dot_dimension_numbers<[1], [0], [0], [1], [0, 0, 1, 1], [], []>, transpose_lhs_hint = false} : vector<2048x256xf32>, vector<256x128xf32>, vector<2048x128xf32> -> vector<2048x128xf32>
    %add3A_35 = vector.broadcast %get3A_13 : vector<1x128xf32> to vector<2048x128xf32>
    %add3A_36 = arith.addf %dot_general3A_34, %add3A_35 : vector<2048x128xf32>
    %dot_general3A_37 = arith.constant dense<0.000000e+00> : vector<2048x128xf32>
    %dot_general3A_38 = tpu.matmul %add3A_36, %get3A_22, %dot_general3A_37 {dimension_numbers = #tpu.dot_dimension_numbers<[1], [0], [0], [1], [0, 0, 1, 1], [], []>, transpose_lhs_hint = false} : vector<2048x128xf32>, vector<128x128xf32>, vector<2048x128xf32> -> vector<2048x128xf32>
    %sub3A = arith.subf %add3A_36, %dot_general3A_38 : vector<2048x128xf32>
    %mul3A_39 = arith.mulf %sub3A, %sub3A : vector<2048x128xf32>
    %dot_general3A_40 = arith.constant dense<0.000000e+00> : vector<2048x128xf32>
    %dot_general3A_41 = tpu.matmul %mul3A_39, %get3A_22, %dot_general3A_40 {dimension_numbers = #tpu.dot_dimension_numbers<[1], [0], [0], [1], [0, 0, 1, 1], [], []>, transpose_lhs_hint = false} : vector<2048x128xf32>, vector<128x128xf32>, vector<2048x128xf32> -> vector<2048x128xf32>
    %add3A_42 = arith.constant 9.99999974E-6 : f32
    %add3A_43 = vector.broadcast %add3A_42 : f32 to vector<2048x128xf32>
    %add3A_44 = arith.addf %dot_general3A_41, %add3A_43 : vector<2048x128xf32>
    %rsqrt3A = math.rsqrt %add3A_44 : vector<2048x128xf32>
    %mul3A_45 = arith.mulf %sub3A, %rsqrt3A : vector<2048x128xf32>
    %mul3A_46 = vector.broadcast %get3A_16 : vector<1x128xf32> to vector<2048x128xf32>
    %mul3A_47 = arith.mulf %mul3A_45, %mul3A_46 : vector<2048x128xf32>
    %add3A_48 = vector.broadcast %get3A_19 : vector<1x128xf32> to vector<2048x128xf32>
    %add3A_49 = arith.addf %mul3A_47, %add3A_48 : vector<2048x128xf32>
    %swap3A = arith.constant 0 : index
    %swap3A_50 = arith.constant 0 : index
    %swap3A_51 = vector.load %arg9[%swap3A, %swap3A_50] : memref<2048x128xf32, #tpu.memory_space<vmem>>, vector<2048x128xf32>
    tpu.vector_store %arg9[%swap3A, %swap3A_50], %add3A_49 {strides = array<i32>} : memref<2048x128xf32, #tpu.memory_space<vmem>>, vector<2048x128xf32>,
    return
  }
  func.func @transform_0(%arg0: i32) -> (i32, i32) {
    %c0_i32 = arith.constant 0 : i32
    %c0_i32_0 = arith.constant 0 : i32
    return %arg0, %c0_i32 : i32, i32
  }
  func.func @transform_1(%arg0: i32) -> (i32, i32) {
    %c0_i32 = arith.constant 0 : i32
    %c0_i32_0 = arith.constant 0 : i32
    %c0_i32_1 = arith.constant 0 : i32
    return %c0_i32, %c0_i32_0 : i32, i32
  }
  func.func @transform_2(%arg0: i32) -> (i32, i32) {
    %c0_i32 = arith.constant 0 : i32
    %c0_i32_0 = arith.constant 0 : i32
    %c0_i32_1 = arith.constant 0 : i32
    return %c0_i32, %c0_i32_0 : i32, i32
  }
  func.func @transform_3(%arg0: i32) -> (i32, i32) {
    %c0_i32 = arith.constant 0 : i32
    %c0_i32_0 = arith.constant 0 : i32
    %c0_i32_1 = arith.constant 0 : i32
    return %c0_i32, %c0_i32_0 : i32, i32
  }
  func.func @transform_4(%arg0: i32) -> (i32, i32) {
    %c0_i32 = arith.constant 0 : i32
    %c0_i32_0 = arith.constant 0 : i32
    %c0_i32_1 = arith.constant 0 : i32
    return %c0_i32, %c0_i32_0 : i32, i32
  }
  func.func @transform_5(%arg0: i32) -> (i32, i32) {
    %c0_i32 = arith.constant 0 : i32
    %c0_i32_0 = arith.constant 0 : i32
    %c0_i32_1 = arith.constant 0 : i32
    return %c0_i32, %c0_i32_0 : i32, i32
  }
  func.func @transform_6(%arg0: i32) -> (i32, i32) {
    %c0_i32 = arith.constant 0 : i32
    %c0_i32_0 = arith.constant 0 : i32
    %c0_i32_1 = arith.constant 0 : i32
    return %c0_i32, %c0_i32_0 : i32, i32
  }
  func.func @transform_7(%arg0: i32) -> (i32, i32) {
    %c0_i32 = arith.constant 0 : i32
    %c0_i32_0 = arith.constant 0 : i32
    %c0_i32_1 = arith.constant 0 : i32
    return %c0_i32, %c0_i32_0 : i32, i32
  }
  func.func @transform_8(%arg0: i32) -> (i32, i32) {
    %c0_i32 = arith.constant 0 : i32
    %c0_i32_0 = arith.constant 0 : i32
    return %arg0, %c0_i32 : i32, i32
  }
}

module attributes {stable_mosaic.version = 14 : i64} {
  func.func @_num_body(%arg0: i32, %arg1: memref<1x1x16384xf32, #tpu.memory_space<vmem>>, %arg2: memref<1x32x1xf32, #tpu.memory_space<vmem>>, %arg3: memref<1x32x1xf32, #tpu.memory_space<vmem>>, %arg4: memref<64x32xf32, #tpu.memory_space<vmem>>, %arg5: memref<64x1xf32, #tpu.memory_space<vmem>>, %arg6: memref<32x64xf32, #tpu.memory_space<vmem>>, %arg7: memref<32x1xf32, #tpu.memory_space<vmem>>, %arg8: memref<32x1xf32, #tpu.memory_space<vmem>>, %arg9: memref<32x1xf32, #tpu.memory_space<vmem>>, %arg10: memref<1x32x16384xf32, #tpu.memory_space<vmem>>) attributes {dimension_semantics = [#tpu.dimension_semantics<arbitrary>], iteration_bounds = array<i64: 13>, scalar_prefetch = 0 : i64, scratch_operands = 0 : i64, tpu.core_type = #tpu.core_type<tc>, window_params = [{transform_indices = @transform_0, window_bounds = array<i64: 1, 1, 16384>}, {transform_indices = @transform_1, window_bounds = array<i64: 1, 32, 1>}, {transform_indices = @transform_2, window_bounds = array<i64: 1, 32, 1>}, {pipeline_mode = #tpu.pipeline_mode<synchronous>, transform_indices = @transform_3, window_bounds = array<i64: 64, 32>}, {pipeline_mode = #tpu.pipeline_mode<synchronous>, transform_indices = @transform_4, window_bounds = array<i64: 64, 1>}, {pipeline_mode = #tpu.pipeline_mode<synchronous>, transform_indices = @transform_5, window_bounds = array<i64: 32, 64>}, {pipeline_mode = #tpu.pipeline_mode<synchronous>, transform_indices = @transform_6, window_bounds = array<i64: 32, 1>}, {pipeline_mode = #tpu.pipeline_mode<synchronous>, transform_indices = @transform_7, window_bounds = array<i64: 32, 1>}, {pipeline_mode = #tpu.pipeline_mode<synchronous>, transform_indices = @transform_8, window_bounds = array<i64: 32, 1>}, {transform_indices = @transform_9, window_bounds = array<i64: 1, 32, 16384>}]} {
    %get3A = arith.constant 0 : index
    %get3A_0 = arith.constant 0 : index
    %get3A_1 = arith.constant 0 : index
    %get3A_2 = vector.load %arg1[%get3A, %get3A_0, %get3A_1] : memref<1x1x16384xf32, #tpu.memory_space<vmem>>, vector<1x1x16384xf32>
    %get3A_3 = vector.shape_cast %get3A_2 : vector<1x1x16384xf32> to vector<1x16384xf32>
    %get3A_4 = arith.constant 0 : index
    %get3A_5 = arith.constant 0 : index
    %get3A_6 = arith.constant 0 : index
    %get3A_7 = vector.load %arg2[%get3A_4, %get3A_5, %get3A_6] : memref<1x32x1xf32, #tpu.memory_space<vmem>>, vector<1x32x1xf32>
    %get3A_8 = vector.shape_cast %get3A_7 : vector<1x32x1xf32> to vector<32x1xf32>
    %mul3A = vector.broadcast %get3A_8 : vector<32x1xf32> to vector<32x16384xf32>
    %mul3A_9 = vector.broadcast %get3A_3 : vector<1x16384xf32> to vector<32x16384xf32>
    %mul3A_10 = arith.mulf %mul3A, %mul3A_9 : vector<32x16384xf32>
    %get3A_11 = arith.constant 0 : index
    %get3A_12 = arith.constant 0 : index
    %get3A_13 = arith.constant 0 : index
    %get3A_14 = vector.load %arg3[%get3A_11, %get3A_12, %get3A_13] : memref<1x32x1xf32, #tpu.memory_space<vmem>>, vector<1x32x1xf32>
    %get3A_15 = vector.shape_cast %get3A_14 : vector<1x32x1xf32> to vector<32x1xf32>
    %add3A = vector.broadcast %get3A_15 : vector<32x1xf32> to vector<32x16384xf32>
    %add3A_16 = arith.addf %mul3A_10, %add3A : vector<32x16384xf32>
    %get3A_17 = arith.constant 0 : index
    %get3A_18 = arith.constant 0 : index
    %get3A_19 = vector.load %arg4[%get3A_17, %get3A_18] : memref<64x32xf32, #tpu.memory_space<vmem>>, vector<64x32xf32>
    %dot_general3A = arith.constant dense<0.000000e+00> : vector<64x16384xf32>
    %dot_general3A_20 = tpu.matmul %get3A_19, %add3A_16, %dot_general3A {dimension_numbers = #tpu.dot_dimension_numbers<[1], [0], [0], [1], [0, 0, 1, 1], [], []>, transpose_lhs_hint = false} : vector<64x32xf32>, vector<32x16384xf32>, vector<64x16384xf32> -> vector<64x16384xf32>
    %get3A_21 = arith.constant 0 : index
    %get3A_22 = arith.constant 0 : index
    %get3A_23 = vector.load %arg5[%get3A_21, %get3A_22] : memref<64x1xf32, #tpu.memory_space<vmem>>, vector<64x1xf32>
    %add3A_24 = vector.broadcast %get3A_23 : vector<64x1xf32> to vector<64x16384xf32>
    %add3A_25 = arith.addf %dot_general3A_20, %add3A_24 : vector<64x16384xf32>
    %mul3A_26 = arith.constant 5.000000e-01 : f32
    %mul3A_27 = vector.broadcast %mul3A_26 : f32 to vector<64x16384xf32>
    %mul3A_28 = arith.mulf %mul3A_27, %add3A_25 : vector<64x16384xf32>
    %div3A = arith.constant 1.41421354 : f32
    %div3A_29 = vector.broadcast %div3A : f32 to vector<64x16384xf32>
    %div3A_30 = arith.divf %add3A_25, %div3A_29 : vector<64x16384xf32>
    %erf3A = math.erf %div3A_30 : vector<64x16384xf32>
    %add3A_31 = arith.constant 1.000000e+00 : f32
    %add3A_32 = vector.broadcast %add3A_31 : f32 to vector<64x16384xf32>
    %add3A_33 = arith.addf %add3A_32, %erf3A : vector<64x16384xf32>
    %mul3A_34 = arith.mulf %mul3A_28, %add3A_33 : vector<64x16384xf32>
    %get3A_35 = arith.constant 0 : index
    %get3A_36 = arith.constant 0 : index
    %get3A_37 = vector.load %arg6[%get3A_35, %get3A_36] : memref<32x64xf32, #tpu.memory_space<vmem>>, vector<32x64xf32>
    %dot_general3A_38 = arith.constant dense<0.000000e+00> : vector<32x16384xf32>
    %dot_general3A_39 = tpu.matmul %get3A_37, %mul3A_34, %dot_general3A_38 {dimension_numbers = #tpu.dot_dimension_numbers<[1], [0], [0], [1], [0, 0, 1, 1], [], []>, transpose_lhs_hint = false} : vector<32x64xf32>, vector<64x16384xf32>, vector<32x16384xf32> -> vector<32x16384xf32>
    %get3A_40 = arith.constant 0 : index
    %get3A_41 = arith.constant 0 : index
    %get3A_42 = vector.load %arg7[%get3A_40, %get3A_41] : memref<32x1xf32, #tpu.memory_space<vmem>>, vector<32x1xf32>
    %add3A_43 = vector.broadcast %get3A_42 : vector<32x1xf32> to vector<32x16384xf32>
    %add3A_44 = arith.addf %dot_general3A_39, %add3A_43 : vector<32x16384xf32>
    %reduce_sum3A = arith.constant dense<0.000000e+00> : vector<16384xf32>
    %reduce_sum3A_45 = vector.multi_reduction <add>, %add3A_44, %reduce_sum3A [0] : vector<32x16384xf32> to vector<16384xf32>
    %broadcast_in_dim3A = vector.shape_cast %reduce_sum3A_45 : vector<16384xf32> to vector<1x16384xf32>
    %div3A_46 = arith.constant 3.200000e+01 : f32
    %div3A_47 = vector.broadcast %div3A_46 : f32 to vector<1x16384xf32>
    %div3A_48 = arith.divf %broadcast_in_dim3A, %div3A_47 : vector<1x16384xf32>
    %sub3A = vector.broadcast %div3A_48 : vector<1x16384xf32> to vector<32x16384xf32>
    %sub3A_49 = arith.subf %add3A_44, %sub3A : vector<32x16384xf32>
    %mul3A_50 = arith.mulf %sub3A_49, %sub3A_49 : vector<32x16384xf32>
    %reduce_sum3A_51 = arith.constant dense<0.000000e+00> : vector<16384xf32>
    %reduce_sum3A_52 = vector.multi_reduction <add>, %mul3A_50, %reduce_sum3A_51 [0] : vector<32x16384xf32> to vector<16384xf32>
    %broadcast_in_dim3A_53 = vector.shape_cast %reduce_sum3A_52 : vector<16384xf32> to vector<1x16384xf32>
    %div3A_54 = arith.constant 3.200000e+01 : f32
    %div3A_55 = vector.broadcast %div3A_54 : f32 to vector<1x16384xf32>
    %div3A_56 = arith.divf %broadcast_in_dim3A_53, %div3A_55 : vector<1x16384xf32>
    %add3A_57 = arith.constant 9.99999974E-6 : f32
    %add3A_58 = vector.broadcast %add3A_57 : f32 to vector<1x16384xf32>
    %add3A_59 = arith.addf %div3A_56, %add3A_58 : vector<1x16384xf32>
    %rsqrt3A = math.rsqrt %add3A_59 : vector<1x16384xf32>
    %mul3A_60 = vector.broadcast %rsqrt3A : vector<1x16384xf32> to vector<32x16384xf32>
    %mul3A_61 = arith.mulf %sub3A_49, %mul3A_60 : vector<32x16384xf32>
    %get3A_62 = arith.constant 0 : index
    %get3A_63 = arith.constant 0 : index
    %get3A_64 = vector.load %arg8[%get3A_62, %get3A_63] : memref<32x1xf32, #tpu.memory_space<vmem>>, vector<32x1xf32>
    %mul3A_65 = vector.broadcast %get3A_64 : vector<32x1xf32> to vector<32x16384xf32>
    %mul3A_66 = arith.mulf %mul3A_61, %mul3A_65 : vector<32x16384xf32>
    %get3A_67 = arith.constant 0 : index
    %get3A_68 = arith.constant 0 : index
    %get3A_69 = vector.load %arg9[%get3A_67, %get3A_68] : memref<32x1xf32, #tpu.memory_space<vmem>>, vector<32x1xf32>
    %add3A_70 = vector.broadcast %get3A_69 : vector<32x1xf32> to vector<32x16384xf32>
    %add3A_71 = arith.addf %mul3A_66, %add3A_70 : vector<32x16384xf32>
    %swap3A = arith.constant 0 : index
    %swap3A_72 = arith.constant 0 : index
    %swap3A_73 = arith.constant 0 : index
    %swap3A_74 = vector.load %arg10[%swap3A, %swap3A_72, %swap3A_73] : memref<1x32x16384xf32, #tpu.memory_space<vmem>>, vector<1x32x16384xf32>
    %swap3A_75 = vector.shape_cast %swap3A_74 : vector<1x32x16384xf32> to vector<32x16384xf32>
    %swap3A_76 = vector.shape_cast %add3A_71 : vector<32x16384xf32> to vector<1x32x16384xf32>
    tpu.vector_store %arg10[%swap3A, %swap3A_72, %swap3A_73], %swap3A_76 {strides = array<i32>} : memref<1x32x16384xf32, #tpu.memory_space<vmem>>, vector<1x32x16384xf32>,
    return
  }
  func.func @transform_0(%arg0: i32) -> (i32, i32, i32) {
    %c0_i32 = arith.constant 0 : i32
    %c0_i32_0 = arith.constant 0 : i32
    %c0_i32_1 = arith.constant 0 : i32
    return %arg0, %c0_i32, %c0_i32_0 : i32, i32, i32
  }
  func.func @transform_1(%arg0: i32) -> (i32, i32, i32) {
    %c0_i32 = arith.constant 0 : i32
    %c0_i32_0 = arith.constant 0 : i32
    %c0_i32_1 = arith.constant 0 : i32
    return %arg0, %c0_i32, %c0_i32_0 : i32, i32, i32
  }
  func.func @transform_2(%arg0: i32) -> (i32, i32, i32) {
    %c0_i32 = arith.constant 0 : i32
    %c0_i32_0 = arith.constant 0 : i32
    %c0_i32_1 = arith.constant 0 : i32
    return %arg0, %c0_i32, %c0_i32_0 : i32, i32, i32
  }
  func.func @transform_3(%arg0: i32) -> (i32, i32) {
    %c0_i32 = arith.constant 0 : i32
    %c0_i32_0 = arith.constant 0 : i32
    %c0_i32_1 = arith.constant 0 : i32
    return %c0_i32, %c0_i32_0 : i32, i32
  }
  func.func @transform_4(%arg0: i32) -> (i32, i32) {
    %c0_i32 = arith.constant 0 : i32
    %c0_i32_0 = arith.constant 0 : i32
    %c0_i32_1 = arith.constant 0 : i32
    return %c0_i32, %c0_i32_0 : i32, i32
  }
  func.func @transform_5(%arg0: i32) -> (i32, i32) {
    %c0_i32 = arith.constant 0 : i32
    %c0_i32_0 = arith.constant 0 : i32
    %c0_i32_1 = arith.constant 0 : i32
    return %c0_i32, %c0_i32_0 : i32, i32
  }
  func.func @transform_6(%arg0: i32) -> (i32, i32) {
    %c0_i32 = arith.constant 0 : i32
    %c0_i32_0 = arith.constant 0 : i32
    %c0_i32_1 = arith.constant 0 : i32
    return %c0_i32, %c0_i32_0 : i32, i32
  }
  func.func @transform_7(%arg0: i32) -> (i32, i32) {
    %c0_i32 = arith.constant 0 : i32
    %c0_i32_0 = arith.constant 0 : i32
    %c0_i32_1 = arith.constant 0 : i32
    return %c0_i32, %c0_i32_0 : i32, i32
  }
  func.func @transform_8(%arg0: i32) -> (i32, i32) {
    %c0_i32 = arith.constant 0 : i32
    %c0_i32_0 = arith.constant 0 : i32
    %c0_i32_1 = arith.constant 0 : i32
    return %c0_i32, %c0_i32_0 : i32, i32
  }
  func.func @transform_9(%arg0: i32) -> (i32, i32, i32) {
    %c0_i32 = arith.constant 0 : i32
    %c0_i32_0 = arith.constant 0 : i32
    %c0_i32_1 = arith.constant 0 : i32
    return %arg0, %c0_i32, %c0_i32_0 : i32, i32, i32
  }
}

</mosaic_0001>

<sc_bundles>
// kernel: kernel.6.cloned.1.call-start
scs
__scs_entry_jumppad:
0x0: {  	(pc) =	sbr.rel $0x88, $3  }
0x1: {  	(tag) =	ssettag $0x0;
	lr =	simm.s32 $0x1  }
0x2: {  	[smem:$0x3F96] =	sst lr;
	_ =	strace $0xD0000000  }
0x3: {  	_ = 	snop  }
0x4: {  	_ = 	snop  }
0x5: {  	_ = 	snop  }
0x6: {  	_ = 	snop  }
0x7: {  	_ = 	snop  }
__scs_overlays_trampoline_lowered:
0x8: {  	[smem:$0x3FA5] =	sst s0  }
0x9: {  	[smem:$0x3FA6] =	sst s1  }
0xa: {  	[smem:$0x3FA7] =	sst s2  }
0xb: {  	[smem:$0x3FA8] =	sst s3  }
0xc: {  	[smem:$0x3FA9] =	sst s4  }
0xd: {  	[smem:$0x3FAA] =	sst s5  }
0xe: {  	[smem:$0x3FAB] =	sst s6  }
0xf: {  	[smem:$0x3FAC] =	sst s7  }
0x10: {  	[smem:$0x3FAD] =	sst s8  }
0x11: {  	[smem:$0x3FAE] =	sst s9;
	s0 =	simm.s32 @!p0 $0x0  }
0x12: {  	s1 =	sld [smem:$0x3F94];
	s0 =	simm.s32 @p0 $0x1  }
0x13: {  	[smem:$0x3FAF] =	sst s0;
	s0 =	simm.s32 @!p1 $0x0  }
0x14: {  	s2 =	sld [smem:$0x3F93];
	s0 =	simm.s32 @p1 $0x1  }
0x15: {  	[smem:$0x3FB0] =	sst s0;
	s0 =	simm.s32 @!p2 $0x0  }
0x16: {  	s3 =	sld [smem:$0x3FDB];
	s0 =	simm.s32 @p2 $0x1  }
0x17: {  	s4 =	simm.s32 $0x1BF5;
	[smem:$0x3FB2] =	sst s0  }
0x18: {  	s0 =	sld [smem:$0x3F95];
	_ =	swait.ge [sflag:s4], $0x0  }
0x19: {  	s7 =	sld [smem:$0x3F96]  }
0x1a: {  	s8 =	sadd.s32 $0xFFFFE003, lr  }
0x1b: {  	s9 =	sadd.s32 $0xFFFFFEF7, lr;
	s5 =	simm.s32 $0xFFFFFFFF;
	p2 =	slt.u32 s8, $0xFFFFF086  }
0x1c: {  	p1 =	slt.u32 s9, $0xF7A;
	s5 =	simm.s32 @!p2 $0x0  }
0x1d: {  	s5 =	simm.s32 @p1 $0x1;
	p0 =	seq.s32 s7, s2  }
0x1e: {  	s7 =	smul.u32 @!p0 $0xF7A, s2;
	p2 =	seq.s32 @!p0 s5, $0x0  }
0x1f: {  	s9 =	smul.u32 $0xF7A, s1;
	s8 =	simm.s32 @!p0 $0x1BF5;
	p2 =	por !p2, p0  }
0x20: {  	[sflag:s8] =	ssyncset.s32 @!p0 $0xFFFFF086;
	s6 =	sadd.s32 @!p0 s3, s7;
	s7 =	simm.s32 @!p0 $0x108  }
0x21: {  	s3 =	sadd.s32 s3, s9;
	s6 =	sadd.s32 @!p0 $0x88, s6;
	s7 =	simm.s32 @p2 $0x1082  }
0x22: {  	[simem:s7], [sflag:s8] =	dma.local @!p0 [hbm:s6], $0xF7A  }
0x23: {  	s9 =	sor.u32 $0xD0000000, s2;
	s6 =	simm.s32 $0x108;
	_ =	swait.ge @!p0 [sflag:s8], $0x0  }
0x24: {  	s3 =	sadd.s32 $0x88, s3;
	s6 =	simm.s32 @!p1 $0x1082;
	[sflag:s4] =	ssyncset.s32 $0xFFFFF086  }
0x25: {  	[simem:s6], [sflag:s4] =	dma.local [hbm:s3], $0xF7A  }
0x26: {  	[smem:$0x3F96] =	sst s1;
	(tag) =	ssettag s2;
	_ =	strace s9  }
0x27: {  	s1 =	sld [smem:$0x3FA6]  }
0x28: {  	s2 =	sld [smem:$0x3FA7]  }
0x29: {  	s4 =	sld [smem:$0x3FA9]  }
0x2a: {  	p0 =	seq.s32 s5, $0x0;
	s5 =	sld [smem:$0x3FAA]  }
0x2b: {  	s6 =	sld [smem:$0x3FAB]  }
0x2c: {  	s7 =	sld [smem:$0x3FAC]  }
0x2d: {  	s3 =	simm.s32 $0x108;
	s8 =	sld [smem:$0x3FAD]  }
0x2e: {  	s3 =	simm.s32 @!p0 $0x1082;
	s9 =	sld [smem:$0x3FAE]  }
0x2f: {  	lr =	sadd.s32 s0, s3;
	s0 =	sld [smem:$0x3FA5]  }
0x30: {  	s3 =	sld [smem:$0x3FA8]  }
0x31: {  	[smem:$0x3FB1] =	sst s10  }
0x32: {  	s10 =	sld [smem:$0x3FAF];
	_ =	sdelay $0x3  }
0x33: {  	p0 =	seq.s32 s10, $0x1;
	s10 =	sld [smem:$0x3FB1];
	_ =	sdelay $0x3  }
0x34: {  	[smem:$0x3FB1] =	sst s10  }
0x35: {  	s10 =	sld [smem:$0x3FB0];
	_ =	sdelay $0x3  }
0x36: {  	p1 =	seq.s32 s10, $0x1;
	s10 =	sld [smem:$0x3FB1];
	_ =	sdelay $0x3  }
0x37: {  	[smem:$0x3FB1] =	sst s10  }
0x38: {  	s10 =	sld [smem:$0x3FB2]  }
0x39: {  	_ = 	snop;
	(pc) =	sbr.ind lr, $3  }
0x3a: {  	_ = 	snop  }
0x3b: {  	_ = 	snop  }
0x3c: {  	p2 =	seq.s32 s10, $0x1;
	s10 =	sld [smem:$0x3FB1]  }
0x3d: {  	_ =	shalt  }
0x3e: {  	_ =	shalt  }
0x3f: {  	_ =	shalt  }
0x40: {  	_ =	shalt  }
0x41: {  	_ =	shalt  }
0x42: {  	_ =	shalt  }
0x43: {  	_ =	shalt  }
0x44: {  	_ =	shalt  }
0x45: {  	_ =	shalt  }
0x46: {  	_ =	shalt  }
0x47: {  	_ =	shalt  }
0x48: {  	_ =	shalt  }
0x49: {  	_ =	shalt  }
0x4a: {  	_ =	shalt  }
0x4b: {  	_ =	shalt  }
0x4c: {  	_ =	shalt  }
0x4d: {  	_ =	shalt  }
0x4e: {  	_ =	shalt  }
0x4f: {  	_ =	shalt  }
0x50: {  	_ =	shalt  }
0x51: {  	_ =	shalt  }
0x52: {  	_ =	shalt  }
0x53: {  	_ =	shalt  }
0x54: {  	_ =	shalt  }
0x55: {  	_ =	shalt  }
0x56: {  	_ =	shalt  }
0x57: {  	_ =	shalt  }
0x58: {  	_ =	shalt  }
0x59: {  	_ =	shalt  }
0x5a: {  	_ =	shalt  }
0x5b: {  	_ =	shalt  }
0x5c: {  	_ =	shalt  }
0x5d: {  	_ =	shalt  }
0x5e: {  	_ =	shalt  }
0x5f: {  	_ =	shalt  }
0x60: {  	_ =	shalt  }
0x61: {  	_ =	shalt  }
0x62: {  	_ =	shalt  }
0x63: {  	_ =	shalt  }
0x64: {  	_ =	shalt  }
0x65: {  	_ =	shalt  }
0x66: {  	_ =	shalt  }
0x67: {  	_ =	shalt  }
0x68: {  	_ =	shalt  }
0x69: {  	_ =	shalt  }
0x6a: {  	_ =	shalt  }
0x6b: {  	_ =	shalt  }
0x6c: {  	_ =	shalt  }
0x6d: {  	_ =	shalt  }
0x6e: {  	_ =	shalt  }
0x6f: {  	_ =	shalt  }
0x70: {  	_ =	shalt  }
0x71: {  	_ =	shalt  }
0x72: {  	_ =	shalt  }
0x73: {  	_ =	shalt  }
0x74: {  	_ =	shalt  }
0x75: {  	_ =	shalt  }
0x76: {  	_ =	shalt  }
0x77: {  	_ =	shalt  }
0x78: {  	_ =	shalt  }
0x79: {  	_ =	shalt  }
0x7a: {  	_ =	shalt  }
0x7b: {  	_ =	shalt  }
0x7c: {  	_ =	shalt  }
0x7d: {  	_ =	shalt  }
0x7e: {  	_ =	shalt  }
0x7f: {  	_ =	shalt  }
0x80: {  	_ =	shalt  }
0x81: {  	_ =	shalt  }
0x82: {  	_ =	shalt  }
0x83: {  	_ =	shalt  }
0x84: {  	_ =	shalt  }
0x85: {  	_ =	shalt  }
0x86: {  	_ =	shalt  }
0x87: {  	_ =	shalt  }
.Lfunc_end0:
.L_simem_size_0:
called_computation.1_lowered:
.L_overlay_start_0:
0x88: {  	s2 =	sld [smem:$0x3FD9]  }
0x89: {  	s3 =	sld [smem:$0x3FFE];
	_ =	sdelay $0x1  }
0x8a: {  	s1 =	srdreg.scid  }
0x8b: {  	s0 =	sand.u32 $0x1, s1  }
0x8c: {  	s17 =	sshll.u32 s0, $0xA;
	s2 =	sadd.s32 s3, s2  }
0x8d: {  	s2 =	sadd.s32 s2, s17  }
0x8e: {  	[smem:$0x3FBD] =	sst s2  }
0x8f: {  	_ = 	snop  }
0x90: {  	s2 =	sld [smem:$0x3FD0];
	(tm) =	ssettm $0x1  }
0x91: {  	s18 =	sld [smem:$0x3FFB];
	_ =	sdelay $0x3  }
0x92: {  	_ =	strace s18  }
0x93: {  	s3 =	sld [smem:$0x3FFC];
	_ =	sdelay $0x3  }
0x94: {  	_ =	strace s3  }
0x95: {  	s3 =	sld [smem:$0x3FFD];
	_ =	sdelay $0x3  }
0x96: {  	_ =	strace s3  }
0x97: {  	_ =	strace $0x8FFFFFFF  }
0x98: {  	s19 =	sld [smem:$0x3FDB];
	_ =	sdelay $0x1  }
0x99: {  	s4 =	simm.s32 $_scs_section_size  }
0x9a: {  	s5 =	simm.s32 $_size__tile_overlayer_lowered;
	s6 =	simm.s32 $_tile_overlayer_lowered  }
0x9b: {  	s22 =	simm.s32 $0x1BFF;
	s21 =	sshll.u32 s6, $0x1;
	s3 =	sadd.s32 s4, s19  }
0x9c: {  	s7 =	simm.s32 $0x0;
	s20 =	sshll.u32 s5, $0x1;
	s5 =	sadd.s32 s21, s3  }
0x9d: {  	[timem:s7], [sflag:s22] =	dma.local [hbm:s5], s20  }
0x9e: {  	_ =	swait.ge [sflag:s22], s20  }
0x9f: {  	s4 =	ssub.s32 $0x0, s20;
	[sflag:s22] =	ssyncset.done $0x0  }
0xa0: {  	[sflag:s22] =	ssyncadd.s32 s4;
	_ =	sdelay $0x1  }
0xa1: {  	s23 =	simm.s32 $0x1B8B  }
0xa2: {  	_ =	swait.ge [sflag:s23], $0x1  }
0xa3: {  	[sflag:s23] =	ssyncset.done $0x0  }
0xa4: {  	s25 =	simm.s32 $0x1B8E;
	s24 =	sld [smem:$0x3FFE];
	[sflag:s23] =	ssyncadd.s32 $0xFFFFFFFF  }
0xa5: {  	s26 =	simm.s32 $execute0_lowered;
	[smem:$0x3FD2] =	sst s25  }
0xa6: {  	s5 =	sshll.u32 s26, $0x1;
	_ =	strace $0x80000046;
	[dreg:$0x1] =	wrdreg $0xFFFFFFFF  }
0xa7: {  	s28 =	simm.s32 $_size_execute0_lowered;
	s3 =	sadd.s32 s3, s5;
	[dreg:$0x0] =	wrdreg $0x0  }
0xa8: {  	s5 =	sshll.u32 s28, $0x1;
	[dreg:$0x2] =	wrdreg s3  }
0xa9: {  	[dreg:$0x3] =	wrdreg s5  }
0xaa: {  	[dreg:$0x4] =	wrdreg $0xC0  }
0xab: {  	_ =	task [dreg:s7], $0x5FFFF  }
0xac: {  	[dreg:$0x1] =	wrdreg $0xFFFFFFFF  }
0xad: {  	[dreg:$0x0] =	wrdreg $0x60  }
0xae: {  	[dreg:$0x2] =	wrdreg s24  }
0xaf: {  	[dreg:$0x3] =	wrdreg s2  }
0xb0: {  	[dreg:$0x4] =	wrdreg $0x9  }
0xb1: {  	_ =	task.clear_ibuf [dreg:s7], $0x5FFFF;
	_ =	strace $0x90000046  }
0xb2: {  	s29 =	simm.s32 $0x9;
	_ =	strace $0x80000048  }
0xb3: {  	_ =	swait.ge [sflag:s29], $0x1  }
0xb4: {  	[sflag:s29] =	ssyncadd.s32 $0xFFFFFFFF  }
0xb5: {  	_ =	strace $0x90000048  }
0xb6: {  	_ =	sfence  }
0xb7: {  	s30 =	sld [smem:$0x0];
	_ =	sdelay $0x2  }
0xb8: {  	s31 =	sshll.u32 s1, $0xD;
	s1 =	sshrl.u32 s1, $0x2  }
0xb9: {  	s3 =	sand.u32 $0x4000, s31;
	s1 =	sadd.s32 s1, s30  }
0xba: {  	s0 =	sor.u32 s3, s0;
	s1 =	sshll.u32 s1, $0x11  }
0xbb: {  	s0 =	sor.u32 s1, s0  }
0xbc: {  	s0 =	sadd.s32 $0x8F2B, s0  }
0xbd: {  	[sflag:s0] =	ssyncadd.remote.s32 $0x1  }
0xbe: {  	_ =	sfence.sel $0xFFFF  }
0xbf: {  	[dreg:$0x0] =	wrdreg $0xFFFFFFFF;
	(pc) =	sbr.abs _section_cstart, $3  }
0xc0: {  	[dreg:$0x1] =	wrdreg $0xFFFFFFFF  }
0xc1: {  	_ =	task.clear_ibuf [dreg:s7], $0x2FFFF;
	_ =	strace $0x9FFFFFFF  }
0xc2: {  	(tm) =	ssettm $0x7FFFFFFF  }
0xc3: {  	_ =	shalt  }
tec
execute0_lowered:
.L_overlay_start_1:
0x0: {  	(tag) =	ssettag $0x1  }
0x1: {  	s6 =	rddreg [dreg:$0x0]  }
0x2: {  	s1 =	srdreg.scid;
	s0 =	stileid.u32  }
0x3: {  	s2 =	rddreg [dreg:$0x1];
	s3 =	simm.s32 $0x0;
	s11 =	simm.s32 $0x3  }
0x4: {  	s12 =	simm.s32 $0x1A0;
	s13 =	simm.s32 $0x340;
	s14 =	simm.s32 $0xD340  }
0x5: {  	s15 =	simm.s32 $0x1;
	s16 =	simm.s32 $0x1A340;
	s17 =	simm.s32 $0x2  }
0x6: {  	s4 =	sand.u32 $0x1, s1;
	s5 =	sshll.u32 s0, $0x1;
	s1 =	rddreg [dreg:$0x2]  }
0x7: {  	s18 =	simm.s32 $0x0;
	[smem:$0x7FF] =	sst s3;
	s5 =	sor.u32 s4, s5  }
0x8: {  	s7 =	ssub.s32 $0x2, s4;
	_ =	strace $0x80000047;
	s4 =	smul.u32 $0x3400, s5  }
0x9: {  	s5 =	sadd.s32 $0x2A00, s6;
	s8 =	sshrl.u32 s7, $0x1;
	s6 =	sadd.s32 $0x27B8A00, s6  }
0xa: {  	s10 =	ssub.s32 s7, s8;
	s31 =	sshrl.u32 s4, $0x3;
	s8 =	sor.u32 $0x1A0, s4  }
0xb: {  	s9 =	sor.u32 $0x340, s4;
	s10 =	smax.u32 s10, $0x1;
	s7 =	sadd.s32 s2, s31  }
.LBB2_1:
0xc: {  	[tilespmem:s3], [sflag:$0x3] =	stream.linear.gather [hbm4b:s7+s3], $0x1A0, $0x38;
	[tilespmem:$0x1D740] =	vst v63  }
0xd: {  	_ =	swait.ge [sflag:s11], $0x1A0  }
0xe: {  	[sflag:s11] =	ssyncset.done $0x0  }
0xf: {  	s19 =	simm.s32 $0x0;
	[sflag:s11] =	ssyncadd.s32 $0xFFFFFE60  }
0x10: {  	[tilespmem:s13], [sflag:$0x1] =	stream.indirect.gather [hbm4b:s5+s12], $0x80, s3, s12, $0xb8;
	[tilespmem:$0x1D740] =	vst v63  }
.LBB2_2:
0x11: {  	s21 =	smul.u32 $0x340, s19;
	_ =	sdelay $0x1  }
0x12: {  	s20 =	sadd.s32 s21, s8  }
0x13: {  	s22 =	sshrl.u32 s20, $0x3  }
0x14: {  	s23 =	simm.s32 $0x0;
	s22 =	sadd.s32 s2, s22  }
0x15: {  	[tilespmem:s12], [sflag:$0x3] =	stream.linear.gather [hbm4b:s22+s23], $0x1A0, $0x38;
	[tilespmem:$0x1D740] =	vst v63  }
0x16: {  	_ =	swait.ge [sflag:s11], $0x1A0  }
0x17: {  	[sflag:s11] =	ssyncset.done $0x0  }
0x18: {  	[sflag:s11] =	ssyncadd.s32 $0xFFFFFE60  }
0x19: {  	[tilespmem:s14], [sflag:$0x2] =	stream.indirect.gather [hbm4b:s5+s12], $0x80, s12, s12, $0xb8;
	[tilespmem:$0x1D740] =	vst v63  }
0x1a: {  	_ =	swait.ge [sflag:s15], $0xD000  }
0x1b: {  	[sflag:s15] =	ssyncset.done $0x0  }
0x1c: {  	s31 =	simm.s32 $0x0;
	[sflag:s15] =	ssyncadd.s32 $0xFFFF3000  }
0x1d: {  	v0 =	vld [tilespmem:s31+$0x340];
	_ =	sdelay $0x3  }
0x1e: {  	s22 =	simm.s32 $0x1A380  }
0x1f: {  	[tilespmem:s22+$0xFFFFFFC0] =	vst v0  }
0x20: {  	v0 =	vld [tilespmem:s31+$0x350];
	_ =	sdelay $0x4  }
0x21: {  	[tilespmem:s22+$0xFFFFFFD0] =	vst v0  }
0x22: {  	v0 =	vld [tilespmem:s31+$0x3C0];
	_ =	sdelay $0x4  }
0x23: {  	[tilespmem:s22+$0xFFFFFFE0] =	vst v0  }
0x24: {  	v0 =	vld [tilespmem:s31+$0x3D0];
	_ =	sdelay $0x4  }
0x25: {  	[tilespmem:s22+$0xFFFFFFF0] =	vst v0  }
0x26: {  	v0 =	vld [tilespmem:s31+$0x440];
	_ =	sdelay $0x4  }
0x27: {  	[tilespmem:s22+$0x0] =	vst v0  }
0x28: {  	v0 =	vld [tilespmem:s31+$0x450];
	_ =	sdelay $0x4  }
0x29: {  	[tilespmem:s22+$0x10] =	vst v0  }
0x2a: {  	v0 =	vld [tilespmem:s31+$0x4C0];
	_ =	sdelay $0x4  }
0x2b: {  	[tilespmem:s22+$0x20] =	vst v0  }
0x2c: {  	v0 =	vld [tilespmem:s31+$0x4D0];
	_ =	sdelay $0x4  }
0x2d: {  	s24 =	simm.s32 $0x1000;
	s23 =	simm.s32 $0x200;
	[tilespmem:s22+$0x30] =	vst v0  }
.LBB2_3:
0x2e: {  	p0 =	sne.s32 s24, $0x33800;
	v0 =	vld [tilespmem:s23+$0x340];
	_ =	sdelay $0x3  }
0x2f: {  	s22 =	sadd.s32 $0x80, s22  }
0x30: {  	[tilespmem:s22+$0xFFFFFFC0] =	vst v0  }
0x31: {  	v0 =	vld [tilespmem:s23+$0x350];
	_ =	sdelay $0x4  }
0x32: {  	[tilespmem:s22+$0xFFFFFFD0] =	vst v0  }
0x33: {  	v0 =	vld [tilespmem:s23+$0x3C0];
	_ =	sdelay $0x4  }
0x34: {  	[tilespmem:s22+$0xFFFFFFE0] =	vst v0  }
0x35: {  	v0 =	vld [tilespmem:s23+$0x3D0];
	_ =	sdelay $0x4  }
0x36: {  	[tilespmem:s22+$0xFFFFFFF0] =	vst v0  }
0x37: {  	v0 =	vld [tilespmem:s23+$0x440];
	_ =	sdelay $0x4  }
0x38: {  	[tilespmem:s22+$0x0] =	vst v0  }
0x39: {  	v0 =	vld [tilespmem:s23+$0x450];
	_ =	sdelay $0x4  }
0x3a: {  	[tilespmem:s22+$0x10] =	vst v0  }
0x3b: {  	v0 =	vld [tilespmem:s23+$0x4C0];
	_ =	sdelay $0x4  }
0x3c: {  	[tilespmem:s22+$0x20] =	vst v0  }
0x3d: {  	v0 =	vld [tilespmem:s23+$0x4D0]  }
.Ltmp0:
0x3e: {  	(pc) =	sbr.rel @p0 .LBB2_3-.Ltmp0, $2  }
0x3f: {  	_ =	sdelay $0x2  }
0x40: {  	s23 =	sshra.s32 s24, $0x2;
	s24 =	sadd.s32 $0x800, s24;
	[tilespmem:s22+$0x30] =	vst v0  }
0x41: {  	v0 =	vld [tilespmem:s23+$0x340];
	_ =	sdelay $0x3  }
0x42: {  	s22 =	sadd.s32 $0x80, s22  }
0x43: {  	[tilespmem:s22+$0xFFFFFFC0] =	vst v0  }
0x44: {  	v0 =	vld [tilespmem:s23+$0x350];
	_ =	sdelay $0x4  }
0x45: {  	[tilespmem:s22+$0xFFFFFFD0] =	vst v0  }
0x46: {  	v0 =	vld [tilespmem:s23+$0x3C0];
	_ =	sdelay $0x4  }
0x47: {  	[tilespmem:s22+$0xFFFFFFE0] =	vst v0  }
0x48: {  	v0 =	vld [tilespmem:s23+$0x3D0];
	_ =	sdelay $0x4  }
0x49: {  	[tilespmem:s22+$0xFFFFFFF0] =	vst v0  }
0x4a: {  	v0 =	vld [tilespmem:s23+$0x440];
	_ =	sdelay $0x4  }
0x4b: {  	[tilespmem:s22+$0x0] =	vst v0  }
0x4c: {  	v0 =	vld [tilespmem:s23+$0x450];
	_ =	sdelay $0x4  }
0x4d: {  	[tilespmem:s22+$0x10] =	vst v0  }
0x4e: {  	v0 =	vld [tilespmem:s23+$0x4C0];
	_ =	sdelay $0x4  }
0x4f: {  	[tilespmem:s22+$0x20] =	vst v0  }
0x50: {  	v0 =	vld [tilespmem:s23+$0x4D0];
	_ =	sdelay $0x2  }
0x51: {  	s29 =	sadd.s32 s4, s21  }
0x52: {  	s23 =	sshll.u32 s29, $0x2  }
0x53: {  	p0 =	seq.s32 s19, $0xF;
	s30 =	sadd.s32 s6, s23;
	[tilespmem:s22+$0x30] =	vst v0  }
0x54: {  	[hbm4b:s30+s3] =	stream.linear.scatter [tilespmem:s16], [sflag:$0x3], $0x3400, $0x38;
	[tilespmem:$0x1D740] =	vst v63  }
0x55: {  	s21 =	sadd.s32 @!p0 s21, s9;
	_ =	swait.ge [sflag:s11], $0x3400  }
0x56: {  	s21 =	sshrl.u32 @!p0 s21, $0x3;
	[sflag:s11] =	ssyncset.done $0x0  }
0x57: {  	s21 =	sadd.s32 @!p0 s2, s21;
	s22 =	simm.s32 @!p0 $0x0;
	[sflag:s11] =	ssyncadd.s32 $0xFFFFCC00  }
0x58: {  	[tilespmem:s22], [sflag:$0x3] =	stream.linear.gather @!p0 [hbm4b:s21+s22], $0x1A0, $0x38;
	[tilespmem:$0x1D740] =	vst v63  }
0x59: {  	s21 =	simm.s32 @!p0 $0x3  }
0x5a: {  	_ =	swait.ge @!p0 [sflag:s21], $0x1A0  }
0x5b: {  	[sflag:s21] =	ssyncset.done @!p0 $0x0  }
0x5c: {  	s23 =	simm.s32 @!p0 $0x340;
	[sflag:s21] =	ssyncadd.s32 @!p0 $0xFFFFFE60;
	s21 =	simm.s32 @!p0 $0x1A0  }
0x5d: {  	[tilespmem:s23], [sflag:$0x1] =	stream.indirect.gather @!p0 [hbm4b:s5+s21], $0x80, s22, s21, $0xb8;
	[tilespmem:$0x1D740] =	vst v63  }
0x5e: {  	_ =	swait.ge [sflag:s17], $0xD000  }
0x5f: {  	[sflag:s17] =	ssyncset.done $0x0  }
0x60: {  	s31 =	simm.s32 $0x0;
	[sflag:s17] =	ssyncadd.s32 $0xFFFF3000  }
0x61: {  	v63 =	vld [tilespmem:s31+$0xD340];
	_ =	sdelay $0x3  }
0x62: {  	s21 =	simm.s32 $0x1A380  }
0x63: {  	[tilespmem:s21+$0xFFFFFFC0] =	vst v63  }
0x64: {  	v0 =	vld [tilespmem:s31+$0xD350];
	_ =	sdelay $0x4  }
0x65: {  	[tilespmem:s21+$0xFFFFFFD0] =	vst v0  }
0x66: {  	v0 =	vld [tilespmem:s31+$0xD3C0];
	_ =	sdelay $0x4  }
0x67: {  	[tilespmem:s21+$0xFFFFFFE0] =	vst v0  }
0x68: {  	v0 =	vld [tilespmem:s31+$0xD3D0];
	_ =	sdelay $0x4  }
0x69: {  	[tilespmem:s21+$0xFFFFFFF0] =	vst v0  }
0x6a: {  	v0 =	vld [tilespmem:s31+$0xD440];
	_ =	sdelay $0x4  }
0x6b: {  	[tilespmem:s21+$0x0] =	vst v0  }
0x6c: {  	v0 =	vld [tilespmem:s31+$0xD450];
	_ =	sdelay $0x4  }
0x6d: {  	[tilespmem:s21+$0x10] =	vst v0  }
0x6e: {  	v0 =	vld [tilespmem:s31+$0xD4C0];
	_ =	sdelay $0x4  }
0x6f: {  	[tilespmem:s21+$0x20] =	vst v0  }
0x70: {  	v0 =	vld [tilespmem:s31+$0xD4D0];
	_ =	sdelay $0x4  }
0x71: {  	s22 =	simm.s32 $0x200;
	s23 =	simm.s32 $0x1000;
	[tilespmem:s21+$0x30] =	vst v0  }
.LBB2_5:
0x72: {  	p0 =	sne.s32 s23, $0x33800;
	v0 =	vld [tilespmem:s22+$0xD340];
	_ =	sdelay $0x3  }
0x73: {  	s21 =	sadd.s32 $0x80, s21  }
0x74: {  	[tilespmem:s21+$0xFFFFFFC0] =	vst v0  }
0x75: {  	v0 =	vld [tilespmem:s22+$0xD350];
	_ =	sdelay $0x4  }
0x76: {  	[tilespmem:s21+$0xFFFFFFD0] =	vst v0  }
0x77: {  	v0 =	vld [tilespmem:s22+$0xD3C0];
	_ =	sdelay $0x4  }
0x78: {  	[tilespmem:s21+$0xFFFFFFE0] =	vst v0  }
0x79: {  	v0 =	vld [tilespmem:s22+$0xD3D0];
	_ =	sdelay $0x4  }
0x7a: {  	[tilespmem:s21+$0xFFFFFFF0] =	vst v0  }
0x7b: {  	v0 =	vld [tilespmem:s22+$0xD440];
	_ =	sdelay $0x4  }
0x7c: {  	[tilespmem:s21+$0x0] =	vst v0  }
0x7d: {  	v0 =	vld [tilespmem:s22+$0xD450];
	_ =	sdelay $0x4  }
0x7e: {  	[tilespmem:s21+$0x10] =	vst v0  }
0x7f: {  	v0 =	vld [tilespmem:s22+$0xD4C0];
	_ =	sdelay $0x4  }
0x80: {  	[tilespmem:s21+$0x20] =	vst v0  }
0x81: {  	v0 =	vld [tilespmem:s22+$0xD4D0]  }
.Ltmp1:
0x82: {  	(pc) =	sbr.rel @p0 .LBB2_5-.Ltmp1, $2  }
0x83: {  	_ =	sdelay $0x2  }
0x84: {  	s22 =	sshra.s32 s23, $0x2;
	s23 =	sadd.s32 $0x800, s23;
	[tilespmem:s21+$0x30] =	vst v0  }
0x85: {  	v0 =	vld [tilespmem:s22+$0xD340];
	_ =	sdelay $0x3  }
0x86: {  	s21 =	sadd.s32 $0x80, s21  }
0x87: {  	[tilespmem:s21+$0xFFFFFFC0] =	vst v0  }
0x88: {  	v0 =	vld [tilespmem:s22+$0xD350];
	_ =	sdelay $0x4  }
0x89: {  	[tilespmem:s21+$0xFFFFFFD0] =	vst v0  }
0x8a: {  	v0 =	vld [tilespmem:s22+$0xD3C0];
	_ =	sdelay $0x4  }
0x8b: {  	[tilespmem:s21+$0xFFFFFFE0] =	vst v0  }
0x8c: {  	v0 =	vld [tilespmem:s22+$0xD3D0];
	_ =	sdelay $0x4  }
0x8d: {  	[tilespmem:s21+$0xFFFFFFF0] =	vst v0  }
0x8e: {  	v0 =	vld [tilespmem:s22+$0xD440];
	_ =	sdelay $0x4  }
0x8f: {  	[tilespmem:s21+$0x0] =	vst v0  }
0x90: {  	v0 =	vld [tilespmem:s22+$0xD450];
	_ =	sdelay $0x4  }
0x91: {  	[tilespmem:s21+$0x10] =	vst v0  }
0x92: {  	v0 =	vld [tilespmem:s22+$0xD4C0];
	_ =	sdelay $0x4  }
0x93: {  	[tilespmem:s21+$0x20] =	vst v0  }
0x94: {  	v0 =	vld [tilespmem:s22+$0xD4D0];
	_ =	sdelay $0x2  }
0x95: {  	s20 =	sshll.u32 s20, $0x2;
	s19 =	sadd.s32 $0x1, s19  }
0x96: {  	s20 =	sand.u32 $0x1FFFFF80, s20;
	p0 =	sne.s32 s19, $0x10  }
.Ltmp2:
0x97: {  	s20 =	sadd.s32 s6, s20;
	[tilespmem:s21+$0x30] =	vst v0;
	(pc) =	sbr.rel @p0 .LBB2_2-.Ltmp2, $4  }
0x98: {  	[hbm4b:s20+s3] =	stream.linear.scatter [tilespmem:s16], [sflag:$0x3], $0x3400, $0x38;
	[tilespmem:$0x1D740] =	vst v63  }
0x99: {  	_ =	swait.ge [sflag:s11], $0x3400  }
0x9a: {  	[sflag:s11] =	ssyncset.done $0x0  }
0x9b: {  	[sflag:s11] =	ssyncadd.s32 $0xFFFFCC00  }
0x9c: {  	s18 =	sadd.s32 $0x1, s18  }
0x9d: {  	p0 =	sne.s32 s18, s10  }
.Ltmp3:
0x9e: {  	_ = 	snop;
	(pc) =	sbr.rel @p0 .LBB2_1-.Ltmp3, $1  }
0x9f: {  	_ =	sdelay $0x3  }
0xa0: {  	_ =	sfence.sel $0x180000  }
0xa1: {  	[bflag:$0x0] =	sbarrier.arrive $0xFFFF  }
0xa2: {  	p0 =	sne.s32 s0, $0x0;
	_ =	strace $0x90000047  }
0xa3: {  	s0 =	sadd.s32 @!p0 $0x100000, s1;
	[bflag:$0x2] =	sbarrier.arrive $0xFFFF  }
0xa4: {  	[sflag:s0] =	ssyncadd.tile.s32 @!p0 $0x1;
	_ =	shalt  }
.Lfunc_end2:
_tile_overlayer_lowered:
.L_overlay_start_2:
0xa5: {  	(tag) =	ssettag $0x2  }
0xa6: {  	s0 =	rddreg [dreg:$0x0];
	s2 =	stileid.u32  }
0xa7: {  	s1 =	rddreg [dreg:$0x1];
	p0 =	sne.s32 s2, $0x0  }
0xa8: {  	s3 =	rddreg [dreg:$0x2];
	[bflag:$0x3] =	sbarrier.arrive $0xFFFF;
	s2 =	simm.s32 @!p0 $0x1C03  }
0xa9: {  	[timem:s3], [sflag:s2] =	dma.local @!p0 [hbm:s0], s1  }
0xaa: {  	s0 =	simm.s32 @!p0 $0x3  }
0xab: {  	_ =	swait.ge @!p0 [sflag:s0], s1  }
0xac: {  	s1 =	ssub.s32 @!p0 $0x0, s1;
	[sflag:s0] =	ssyncset.done @!p0 $0x0  }
0xad: {  	[sflag:s0] =	ssyncadd.s32 @!p0 s1  }
0xae: {  	[bflag:$0x3] =	sbarrier.arrive $0xFFFF  }
0xaf: {  	_ =	shalt  }

// kernel: sparse-core-data-format-call.cloned.1.call-start
scs
called_computation_lowered:
.L_overlay_start_0:
0x0: {  	s1 =	sld [smem:$0x3FD9]  }
0x1: {  	s2 =	sld [smem:$0x3FFE];
	_ =	sdelay $0x1  }
0x2: {  	s3 =	srdreg.scid  }
0x3: {  	s0 =	sand.u32 $0x1, s3  }
0x4: {  	s17 =	sshll.u32 s0, $0xA;
	s1 =	sadd.s32 s2, s1  }
0x5: {  	s1 =	sadd.s32 s1, s17  }
0x6: {  	[smem:$0x3FBD] =	sst s1  }
0x7: {  	_ = 	snop  }
0x8: {  	(tm) =	ssettm $0x1  }
0x9: {  	s18 =	sld [smem:$0x3FFB];
	_ =	sdelay $0x3  }
0xa: {  	_ =	strace s18  }
0xb: {  	s1 =	sld [smem:$0x3FFC];
	_ =	sdelay $0x3  }
0xc: {  	_ =	strace s1  }
0xd: {  	s1 =	sld [smem:$0x3FFD];
	_ =	sdelay $0x3  }
0xe: {  	_ =	strace s1  }
0xf: {  	_ =	strace $0x8FFFFFFF  }
0x10: {  	s19 =	sld [smem:$0x3FDB];
	_ =	sdelay $0x1  }
0x11: {  	s20 =	simm.s32 $_scs_section_size  }
0x12: {  	s4 =	simm.s32 $_size__tile_overlayer_lowered;
	s5 =	simm.s32 $_tile_overlayer_lowered  }
0x13: {  	s23 =	simm.s32 $0x1BFF;
	s22 =	sshll.u32 s5, $0x1;
	s1 =	sadd.s32 s20, s19  }
0x14: {  	s6 =	simm.s32 $0x0;
	s21 =	sshll.u32 s4, $0x1;
	s4 =	sadd.s32 s22, s1  }
0x15: {  	[timem:s6], [sflag:s23] =	dma.local [hbm:s4], s21  }
0x16: {  	_ =	swait.ge [sflag:s23], s21  }
0x17: {  	s2 =	ssub.s32 $0x0, s21;
	[sflag:s23] =	ssyncset.done $0x0  }
0x18: {  	[sflag:s23] =	ssyncadd.s32 s2;
	_ =	sdelay $0x1  }
0x19: {  	s24 =	simm.s32 $0x1B8B  }
0x1a: {  	_ =	swait.ge [sflag:s24], $0x1  }
0x1b: {  	[sflag:s24] =	ssyncset.done $0x0  }
0x1c: {  	s26 =	simm.s32 $0x1B8E;
	s25 =	sld [smem:$0x3FFE];
	[sflag:s24] =	ssyncadd.s32 $0xFFFFFFFF  }
0x1d: {  	s27 =	simm.s32 $execute0_lowered;
	[smem:$0x3FD2] =	sst s26  }
0x1e: {  	s4 =	sshll.u32 s27, $0x1;
	_ =	strace $0x80000049;
	[dreg:$0x1] =	wrdreg $0xFFFFFFFF  }
0x1f: {  	s28 =	simm.s32 $_size_execute0_lowered;
	s1 =	sadd.s32 s1, s4;
	[dreg:$0x0] =	wrdreg $0x0  }
0x20: {  	s4 =	sshll.u32 s28, $0x1;
	[dreg:$0x2] =	wrdreg s1  }
0x21: {  	[dreg:$0x3] =	wrdreg s4  }
0x22: {  	[dreg:$0x4] =	wrdreg $0xC0  }
0x23: {  	_ =	task [dreg:s6], $0x5FFFF  }
0x24: {  	[dreg:$0x1] =	wrdreg $0xFFFFFFFF  }
0x25: {  	[dreg:$0x0] =	wrdreg $0x60  }
0x26: {  	[dreg:$0x2] =	wrdreg s25  }
0x27: {  	[dreg:$0x3] =	wrdreg $0x9  }
0x28: {  	_ =	task.clear_ibuf [dreg:s6], $0x4FFFF;
	_ =	strace $0x90000049  }
0x29: {  	s29 =	simm.s32 $0x9;
	_ =	strace $0x8000004B  }
0x2a: {  	_ =	swait.ge [sflag:s29], $0x1  }
0x2b: {  	[sflag:s29] =	ssyncadd.s32 $0xFFFFFFFF  }
0x2c: {  	_ =	strace $0x9000004B  }
0x2d: {  	_ =	sfence  }
0x2e: {  	s30 =	sld [smem:$0x0];
	_ =	sdelay $0x2  }
0x2f: {  	s31 =	sshll.u32 s3, $0xD;
	s3 =	sshrl.u32 s3, $0x2  }
0x30: {  	s2 =	sand.u32 $0x4000, s31;
	s1 =	sadd.s32 s3, s30  }
0x31: {  	s0 =	sor.u32 s2, s0;
	s1 =	sshll.u32 s1, $0x11  }
0x32: {  	s0 =	sor.u32 s1, s0  }
0x33: {  	s0 =	sadd.s32 $0x8F2B, s0  }
0x34: {  	[sflag:s0] =	ssyncadd.remote.s32 $0x1  }
0x35: {  	_ =	sfence.sel $0xFFFF  }
0x36: {  	[dreg:$0x0] =	wrdreg $0xFFFFFFFF;
	(pc) =	sbr.abs _section_cstart, $3  }
0x37: {  	[dreg:$0x1] =	wrdreg $0xFFFFFFFF  }
0x38: {  	_ =	task.clear_ibuf [dreg:s6], $0x2FFFF;
	_ =	strace $0x9FFFFFFF  }
0x39: {  	(tm) =	ssettm $0x7FFFFFFF  }
tec
execute0_lowered:
.L_overlay_start_1:
0x0: {  	(tag) =	ssettag $0x1  }
0x1: {  	s0 =	srdreg.scid  }
0x2: {  	s1 =	sshll.u32 s0, $0x4  }
0x3: {  	s0 =	stileid.u32;
	s1 =	sand.u32 $0x10, s1  }
0x4: {  	s7 =	rddreg [dreg:$0x0];
	s1 =	sor.u32 s0, s1  }
0x5: {  	s4 =	simm.s32 $0x1;
	s8 =	simm.s32 $0x2;
	s2 =	sshll.u32 s1, $0x7  }
0x6: {  	s13 =	simm.s32 $0x0;
	s9 =	simm.s32 $0x20000;
	s3 =	ssub.s32 $0x4000, s2  }
0x7: {  	s14 =	simm.s32 $0x0;
	s11 =	simm.s32 $0x0;
	s31 =	sand.u32 $0xF80, s3  }
0x8: {  	s12 =	simm.s32 $0x0;
	s6 =	sadd.s32 $0x682A00, s7;
	p0 =	sne.s32 s31, $0x0  }
.Ltmp0:
0x9: {  	s3 =	sshrl.u32 s3, $0xC;
	s4 =	simm.s32 @!p0 $0x0;
	(pc) =	sbr.rel .LBB1_1-.Ltmp0, $4  }
0xa: {  	s1 =	rddreg [dreg:$0x1];
	_ =	strace $0x8000004A;
	s5 =	sadd.s32 s4, s3  }
0xb: {  	s10 =	smov.u32 s2;
	s4 =	simm.s32 $0x1;
	s5 =	smul.u32 $0xD, s5  }
0xc: {  	p0 =	por $0x0, $0x0;
	s3 =	sadd.s32 $0x2A00, s7;
	[sflag:s4] =	ssyncpa.u1 $0x0  }
0xd: {  	s7 =	sadd.s32 $0x42A00, s7;
	[sflag:s8] =	ssyncpa.u1 $0x0;
	s8 =	sadd.s32 $0x1, s5  }
.LBB1_7:
0xe: {  	s15 =	sadd.s32 $0x1000, s10  }
0xf: {  	s13 =	sadd.s32 $0x2, s11;
	s17 =	smov.u32 s11;
	p2 =	sgt.s32 s15, $0x3FFF  }
0x10: {  	s17 =	smov.u32 @p2 s13  }
0x11: {  	s15 =	smov.u32 @p2 s2;
	p2 =	sgt.s32 s17, $0x19  }
0x12: {  	s17 =	simm.s32 @p2 $0x0;
	p2 =	sne.s32 s12, s8  }
.Ltmp1:
0x13: {  	p1 =	slt.u32 s12, $0x2;
	(pc) =	sbr.rel @!p2 .LBB1_8-.Ltmp1, $4  }
0x14: {  	s16 =	simm.s32 @!p1 $0x2  }
0x15: {  	s14 =	smov.u32 s11;
	p0 =	por !p0, !p0;
	_ =	swait.ge @!p1 [sflag:s16], $0x2000  }
0x16: {  	s13 =	smov.u32 s10;
	[sflag:s16] =	ssyncset.done @!p1 $0x0;
	s10 =	smov.u32 s15  }
0x17: {  	s12 =	sadd.s32 $0x1, s12;
	[sflag:s16] =	ssyncadd.s32 @!p1 $0xFFFFE000;
	s11 =	smov.u32 s17  }
.LBB1_1:
0x18: {  	p1 =	sge.u32 s12, s5  }
0x19: {  	s15 =	sxor.u32 @!p1 $0xFFFFFFFF, s12;
	s16 =	sshll.u32 @!p1 s11, $0x12  }
0x1a: {  	s17 =	sshll.u32 @!p1 s10, $0x4;
	s19 =	simm.s32 @!p1 $0x20;
	s20 =	simm.s32 @!p1 $0x80  }
0x1b: {  	s15 =	sshll.u32 @!p1 s15, $0xD;
	s17 =	sand.u32 @!p1 $0x3FFF0, s17;
	s18 =	sadd.s32 @!p1 s3, s16  }
0x1c: {  	s16 =	sadd.s32 @!p1 s16, s7;
	s15 =	sand.u32 @!p1 $0x2000, s15;
	s18 =	sadd.s32 @!p1 s17, s18  }
0x1d: {  	[tilespmem:s15], [sflag:$0x1] =	stream.strided.gather @!p1 [hbm4b:s18+s19], $0x1000, s20, s19, $0x38;
	[tilespmem:$0x8080] =	vst v63  }
0x1e: {  	s31 =	sadd.s32 $0xFFFFFFFF, s12;
	s16 =	sadd.s32 @!p1 s17, s16;
	s15 =	sor.u32 @!p1 $0x1000, s15  }
0x1f: {  	[tilespmem:s15], [sflag:$0x1] =	stream.strided.gather @!p1 [hbm4b:s16+s19], $0x1000, s20, s19, $0x38;
	[tilespmem:$0x8080] =	vst v63  }
0x20: {  	p1 =	sge.u32 s31, s5  }
.Ltmp2:
0x21: {  	_ = 	snop;
	(pc) =	sbr.rel @p1 .LBB1_7-.Ltmp2, $1  }
0x22: {  	_ =	sdelay $0x3  }
0x23: {  	s15 =	simm.s32 $0x1;
	s17 =	sand.u32 $0x1, s12  }
0x24: {  	_ =	swait.ge [sflag:s4], $0x2000;
	s15 =	simm.s32 @!p0 $0x0;
	s17 =	smul.u32 $0x8100, s17  }
0x25: {  	p2 =	por $0x1, $0x1;
	[sflag:s4] =	ssyncset.done $0x0;
	s16 =	smul.u32 $0x8100, s15  }
0x26: {  	s18 =	sshll.u32 s15, $0xF;
	[sflag:s4] =	ssyncadd.s32 $0xFFFFE000;
	s30 =	sshrl.u32 s17, $0x2  }
0x27: {  	s31 =	sshrl.u32 s18, $0x2;
	s18 =	simm.s32 $0x0;
	s16 =	sshrl.u32 s16, $0x2  }
0x28: {  	s15 =	sor.u32 $0x4000, s30;
	s17 =	sadd.s32 $0x10, s31;
	s16 =	sor.u32 $0x4000, s16  }
.LBB1_3:
0x29: {  	s19 =	sshll.u32 s18, $0xC  }
0x2a: {  	s19 =	sand.u32 $0x3FFFF000, s19  }
0x2b: {  	s20 =	sadd.s32 s19, s17  }
0x2c: {  	s31 =	smul.u32 $0x4080, s18;
	v1 =	vld [tilespmem:s20+$0x0]  }
0x2d: {  	v0 =	vld [tilespmem:s20+$0xFFFFFFF0]  }
0x2e: {  	s18 =	sshra.s32 s31, $0x2  }
0x2f: {  	s18 =	sadd.s32 s18, s16  }
0x30: {  	s21 =	sadd.s32 $0x0, s18  }
0x31: {  	p1 =	por p2, p2;
	s19 =	simm.s32 $0x4;
	s20 =	sadd.s32 $0x20, s20;
	[tilespmem:s21+$0x810 ss:$0x81] =	vst.msk $0xffff, v1  }
.LBB1_4:
0x32: {  	v1 =	vld [tilespmem:s20+$0x0];
	p2 =	sne.s32 s19, $0x1FC;
	[tilespmem:s21+$0x0 ss:$0x81] =	vst.msk $0xffff, v0;
	s21 =	smov.u32 s19;
	s19 =	sadd.s32 $0x4, s19  }
.Ltmp3:
0x33: {  	v0 =	vld [tilespmem:s20+$0xFFFFFFF0];
	(pc) =	sbr.rel @p2 .LBB1_4-.Ltmp3, $4  }
0x34: {  	_ = 	snop  }
0x35: {  	s21 =	sshra.s32 s21, $0x2  }
0x36: {  	s21 =	sadd.s32 s21, s18  }
0x37: {  	s20 =	sadd.s32 $0x20, s20;
	[tilespmem:s21+$0x810 ss:$0x81] =	vst.msk $0xffff, v1  }
.Ltmp4:
0x38: {  	(pc) =	sbr.rel @p1 .LBB1_3-.Ltmp4, $2  }
0x39: {  	_ =	sdelay $0x2  }
0x3a: {  	[tilespmem:s21+$0x0 ss:$0x81] =	vst.msk $0xffff, v0;
	s18 =	simm.s32 $0x1;
	p2 =	por $0x0, $0x0  }
0x3b: {  	s16 =	sshll.u32 s13, $0x3;
	s17 =	sand.u32 $0x78, s13;
	s14 =	sshll.u32 s14, $0x10  }
.Ltmp5:
0x3c: {  	s30 =	sand.u32 $0xF800, s13;
	s16 =	sand.u32 $0x3C00, s16;
	(pc) =	sbr.rel .LBB1_7-.Ltmp5, $4  }
0x3d: {  	s31 =	sand.u32 $0x7, s13;
	s14 =	sadd.s32 s6, s14;
	s16 =	sor.u32 s17, s16  }
0x3e: {  	s13 =	sshll.u32 s31, $0x12;
	s14 =	sadd.s32 s30, s14;
	s16 =	sshrl.u32 s16, $0x3  }
0x3f: {  	s13 =	sor.u32 $0x400, s13;
	s14 =	sadd.s32 s16, s14  }
0x40: {  	[hbm4b:s14+s13] =	stream.strided.scatter [tilespmem:s15], [sflag:$0x2], $0x2000, s9, s13, $0x20;
	[tilespmem:$0x8080] =	vst v63  }
.LBB1_8:
0x41: {  	_ =	sfence.sel $0x180000  }
0x42: {  	s2 =	simm.s32 $0x1;
	[bflag:$0x0] =	sbarrier.arrive $0xFFFF  }
0x43: {  	s31 =	simm.s32 $0x2;
	[sflag:s2] =	ssyncpa.u1 $0x1  }
0x44: {  	[sflag:s31] =	ssyncpa.u1 $0x1  }
0x45: {  	p0 =	sne.s32 s0, $0x0;
	_ =	strace $0x9000004A  }
0x46: {  	s0 =	sadd.s32 @!p0 $0x100000, s1;
	[bflag:$0x2] =	sbarrier.arrive $0xFFFF  }
0x47: {  	[sflag:s0] =	ssyncadd.tile.s32 @!p0 $0x1;
	_ =	shalt  }
.Lfunc_end1:
_tile_overlayer_lowered:
.L_overlay_start_2:
0x48: {  	(tag) =	ssettag $0x2  }
0x49: {  	s0 =	rddreg [dreg:$0x0];
	s2 =	stileid.u32  }
0x4a: {  	s1 =	rddreg [dreg:$0x1];
	p0 =	sne.s32 s2, $0x0  }
0x4b: {  	s3 =	rddreg [dreg:$0x2];
	[bflag:$0x3] =	sbarrier.arrive $0xFFFF;
	s2 =	simm.s32 @!p0 $0x1C01  }
0x4c: {  	[timem:s3], [sflag:s2] =	dma.local @!p0 [hbm:s0], s1  }
0x4d: {  	s0 =	simm.s32 @!p0 $0x1  }
0x4e: {  	_ =	swait.ge @!p0 [sflag:s0], s1  }
0x4f: {  	s1 =	ssub.s32 @!p0 $0x0, s1;
	[sflag:s0] =	ssyncset.done @!p0 $0x0  }
0x50: {  	[sflag:s0] =	ssyncadd.s32 @!p0 s1  }
0x51: {  	[bflag:$0x3] =	sbarrier.arrive $0xFFFF  }
0x52: {  	_ =	shalt  }

</sc_bundles>
